<compile_context>
chip_gen: v7x
topology: tpu7x:2x2x1
jax: 0.10.2.dev20260603
libtpu: 0.0.44.dev20260713+nightly
codegen_flags: <defaults>
</compile_context>

<pallas_src>
import functools

import jax
import jax.numpy as jnp
from jax import lax
from jax.experimental import pallas as pl
from jax.experimental.pallas import tpu as pltpu

_M1 = 6272
_BM1 = 784
_GRID = _M1 // _BM1
_K = 512
_D = 128
_N0 = 4 * _M1
_N1PAD = 6400
_NW = 32


def _enc_body(x0_ref, we0_ref, be0_ref, we1_ref, be1_ref, cb0t_ref, cb1t_ref,
              idx0_ref, idx1_ref, s0_ref, s1_ref, acc_sc):
    i = pl.program_id(0)

    @pl.when(i == 0)
    def _init():
        s0_ref[0, 0] = 0.0
        s1_ref[0, 0] = 0.0

    f32 = jnp.float32

    def vq_idx(e, cbt_ref):
        cbt = cbt_ref[...]
        g = jax.lax.dot_general(e, cbt, (((1,), (0,)), ((), ())),
                                preferred_element_type=f32)
        sc = jnp.sum(cbt * cbt, axis=0, keepdims=True) - 2.0 * g
        m = jnp.min(sc, axis=1, keepdims=True)
        iota = jax.lax.broadcasted_iota(jnp.int32, sc.shape, 1)
        idx = jnp.min(jnp.where(sc == m, iota, _K), axis=1, keepdims=True)
        return idx, jnp.sum(e * e) + jnp.sum(m)

    x_all = jnp.concatenate([x0_ref[j] for j in range(4)], axis=0)
    e_all = jax.lax.dot_general(x_all, we0_ref[...], (((1,), (0,)), ((), ())),
                                preferred_element_type=f32) + be0_ref[...]
    idx0, s0 = vq_idx(e_all, cb0t_ref)
    acc_sc[...] = jnp.broadcast_to(be1_ref[...], (_BM1, _D))

    for j in range(4):
        ej = e_all[j * _BM1:(j + 1) * _BM1]
        idx0_ref[j] = idx0[j * _BM1:(j + 1) * _BM1]
        acc_sc[...] += jax.lax.dot_general(ej, we1_ref[j],
                                           (((1,), (0,)), ((), ())),
                                           preferred_element_type=f32)
    idx1, ds1 = vq_idx(acc_sc[...], cb1t_ref)
    idx1_ref[...] = idx1
    s0_ref[0, 0] += s0
    s1_ref[0, 0] += ds1


def _dec_body(x0_ref, we0_ref, be0_ref, emb0_ref, emb1_ref, wd0_ref, bd0_ref,
              wup_ref, bup_ref, wout_ref, bout_ref, sm0_ref, sfin_ref):
    i = pl.program_id(0)

    @pl.when(i == 0)
    def _init():
        sm0_ref[0, 0] = 0.0
        sfin_ref[0, 0] = 0.0

    f32 = jnp.float32
    x_all = jnp.concatenate([x0_ref[j] for j in range(4)], axis=0)
    e_all = jax.lax.dot_general(x_all, we0_ref[...], (((1,), (0,)), ((), ())),
                                preferred_element_type=f32) + be0_ref[...]
    emb1 = emb1_ref[...]
    d0_all = jax.lax.dot_general(emb1, wd0_ref[...], (((1,), (0,)), ((), ())),
                                 preferred_element_type=f32) + bd0_ref[...]
    up_all = jax.lax.dot_general(emb1, wup_ref[...], (((1,), (0,)), ((), ())),
                                 preferred_element_type=f32) + bup_ref[...]

    sm0 = 0.0
    sfin = 0.0
    for j in range(4):
        d = d0_all[:, _D * j:_D * (j + 1)] - e_all[j * _BM1:(j + 1) * _BM1]
        sm0 = sm0 + jnp.sum(d * d)
        h = jnp.maximum(
            jnp.concatenate([up_all[:, _D * j:_D * (j + 1)], emb0_ref[j]],
                            axis=1), 0.0)
        r = jax.lax.dot_general(h, wout_ref[...], (((1,), (0,)), ((), ())),
                                preferred_element_type=f32) + bout_ref[...]
        dr = r - x0_ref[j]
        sfin = sfin + jnp.sum(dr * dr)

    sm0_ref[0, 0] += sm0
    sfin_ref[0, 0] += sfin


def _full(shape):
    return pl.BlockSpec(shape, lambda i: tuple(0 for _ in shape))


_SCALAR = pl.BlockSpec((1, 1), lambda i: (0, 0), memory_space=pltpu.SMEM)


def _enc_call(x0, we0, be0, we1, be1, cb0t, cb1t, interpret=False):
    return pl.pallas_call(
        _enc_body,
        grid=(_GRID,),
        in_specs=[
            pl.BlockSpec((4, _BM1, 48), lambda i: (0, i, 0)),
            _full((48, _D)), _full((1, _D)),
            _full((4, _D, _D)), _full((1, _D)),
            _full((_D, _K)), _full((_D, _K)),
        ],
        out_specs=[
            pl.BlockSpec((4, _BM1, 1), lambda i: (0, i, 0)),
            pl.BlockSpec((_BM1, 1), lambda i: (i, 0)),
            _SCALAR, _SCALAR,
        ],
        out_shape=[
            jax.ShapeDtypeStruct((4, _M1, 1), jnp.int32),
            jax.ShapeDtypeStruct((_M1, 1), jnp.int32),
            jax.ShapeDtypeStruct((1, 1), jnp.float32),
            jax.ShapeDtypeStruct((1, 1), jnp.float32),
        ],
        scratch_shapes=[pltpu.VMEM((_BM1, _D), jnp.float32)],
        interpret=interpret,
    )(x0, we0, be0, we1, be1, cb0t, cb1t)


def _dec_call(x0, we0, be0, emb0, emb1, wd0, bd0, wup, bup, wout, bout,
              interpret=False):
    return pl.pallas_call(
        _dec_body,
        grid=(_GRID,),
        in_specs=[
            pl.BlockSpec((4, _BM1, 48), lambda i: (0, i, 0)),
            _full((48, _D)), _full((1, _D)),
            pl.BlockSpec((4, _BM1, _D), lambda i: (0, i, 0)),
            pl.BlockSpec((_BM1, _D), lambda i: (i, 0)),
            _full((_D, 4 * _D)), _full((1, 4 * _D)),
            _full((_D, 4 * _D)), _full((1, 4 * _D)),
            _full((2 * _D, 48)), _full((1, 48)),
        ],
        out_specs=[_SCALAR, _SCALAR],
        out_shape=[jax.ShapeDtypeStruct((1, 1), jnp.float32)] * 2,
        interpret=interpret,
    )(x0, we0, be0, emb0, emb1, wd0, bd0, wup, bup, wout, bout)


@functools.cache
def _make_gather(B):
    from jax.experimental.pallas import tpu_sc as plsc
    b_per_w = B // _NW
    mesh = plsc.VectorSubcoreMesh(core_axis_name="c", subcore_axis_name="s")

    @functools.partial(
        pl.kernel, mesh=mesh,
        out_type=jax.ShapeDtypeStruct((B, _D), jnp.float32),
        scratch_types=[pltpu.VMEM((b_per_w,), jnp.int32),
                       pltpu.VMEM((b_per_w, _D), jnp.float32),
                       pltpu.SemaphoreType.DMA],
    )
    def gather_k(table_hbm, idx_hbm, out_hbm, idx_v, rows_v, sem):
        wid = lax.axis_index("s") * 2 + lax.axis_index("c")
        base = wid * b_per_w
        pltpu.sync_copy(idx_hbm.at[pl.ds(base, b_per_w)], idx_v)
        pltpu.async_copy(table_hbm.at[idx_v], rows_v, sem).wait()
        pltpu.sync_copy(rows_v, out_hbm.at[pl.ds(base, b_per_w)])

    return gather_k


def kernel(inputs, W_enc0, b_enc0, W_enc1, b_enc1, codebook0, codebook1,
           W_dec0, b_dec0, W_dec1_up, b_dec1_up, W_dec1_out, b_dec1_out,
           commitment=0.25):
    x0 = (inputs.reshape(8, 28, 2, 4, 28, 2, 4, 3)
          .transpose(2, 5, 0, 1, 4, 3, 6, 7)
          .reshape(4, _M1, 48))
    we1 = W_enc1.reshape(4, _D, _D)

    idx0, idx1, s0, s1 = _enc_call(
        x0, W_enc0, b_enc0.reshape(1, _D), we1, b_enc1.reshape(1, _D),
        codebook0.T, codebook1.T)

    emb0 = _make_gather(_N0)(codebook0, idx0.reshape(_N0))
    idx1p = jnp.pad(idx1.reshape(_M1), (0, _N1PAD - _M1))
    emb1 = _make_gather(_N1PAD)(codebook1, idx1p)

    sm0, sfin = _dec_call(
        x0, W_enc0, b_enc0.reshape(1, _D), emb0.reshape(4, _M1, _D), emb1,
        W_dec0, b_dec0.reshape(1, 4 * _D), W_dec1_up,
        b_dec1_up.reshape(1, 4 * _D), W_dec1_out, b_dec1_out.reshape(1, 48))

    vq_loss = (1.0 + commitment) * (s0[0, 0] / (_N0 * _D)
                                    + s1[0, 0] / (_M1 * _D))
    mse0 = sm0[0, 0] / (_M1 * 4 * _D)
    final_mse = sfin[0, 0] / (_N0 * 48.0)
    loss = vq_loss + mse0 + final_mse
    return loss, final_mse

# --- scband reference (transcript-rebuilt; emitter-appended) ---
"""Pipeline reference for scband-vqvae-44006234915439 (READ-ONLY COPY).

The authoritative reference and input builder live on the scoring server;
editing this copy changes nothing except your own understanding.
"""

import jax, jax.numpy as jnp
import numpy as np


def _patchify(x, p):
    B, H, W, C = x.shape
    x = x.reshape(B, H // p, p, W // p, p, C)
    x = x.transpose(0, 1, 3, 2, 4, 5)
    return x.reshape(B, H // p, W // p, p * p * C)


def _unpatchify(x, p, c_out):
    B, h, w, _ = x.shape
    x = x.reshape(B, h, w, p, p, c_out)
    x = x.transpose(0, 1, 3, 2, 4, 5)
    return x.reshape(B, h * p, w * p, c_out)


def _vq(z, codebook):
    D = codebook.shape[1]
    flat = z.reshape(-1, D)
    d2 = (jnp.sum(flat * flat, axis=1, keepdims=True)
          - 2.0 * (flat @ codebook.T)
          + jnp.sum(codebook * codebook, axis=1)[None, :])
    idx = jnp.argmin(d2, axis=1)
    embedded = jnp.take(codebook, idx, axis=0).reshape(z.shape)
    embedded_pt = z + jax.lax.stop_gradient(embedded - z)
    return embedded, embedded_pt, idx.reshape(z.shape[:-1])


def _vq_loss(encoded, embedded, commitment):
    codebook_loss = jnp.mean((jax.lax.stop_gradient(encoded) - embedded) ** 2)
    commit_loss = jnp.mean((encoded - jax.lax.stop_gradient(embedded)) ** 2)
    return codebook_loss + commitment * commit_loss


def setup_inputs(seed: int = 0):
    key = jax.random.key(seed)
    ks = [jax.random.fold_in(key, i) for i in range(16)]
    B, H, Wd, Cin = 8, 224, 224, 3
    D, K = 128, 512
    s = 0.02
    return {
        "inputs": jax.random.normal(ks[0], (B, H, Wd, Cin), dtype=jnp.float32),
        "W_enc0": jax.random.normal(ks[1], (Cin * 16, D), jnp.float32) * s,
        "b_enc0": jnp.zeros((D,), jnp.float32),
        "W_enc1": jax.random.normal(ks[2], (D * 4, D), jnp.float32) * s,
        "b_enc1": jnp.zeros((D,), jnp.float32),
        "codebook0": jax.random.normal(ks[3], (K, D), jnp.float32) * s,
        "codebook1": jax.random.normal(ks[4], (K, D), jnp.float32) * s,
        "W_dec0": jax.random.normal(ks[5], (D, D * 4), jnp.float32) * s,
        "b_dec0": jnp.zeros((D * 4,), jnp.float32),
        "W_dec1_up": jax.random.normal(ks[6], (D, D * 4), jnp.float32) * s,
        "b_dec1_up": jnp.zeros((D * 4,), jnp.float32),
        "W_dec1_out": jax.random.normal(ks[7], (2 * D, Cin * 16), jnp.float32) * s,
        "b_dec1_out": jnp.zeros((Cin * 16,), jnp.float32),
        "commitment": jnp.asarray(0.25, jnp.float32),
    }


def reference(inputs, W_enc0, b_enc0, W_enc1, b_enc1, codebook0, codebook1,
              W_dec0, b_dec0, W_dec1_up, b_dec1_up, W_dec1_out, b_dec1_out,
              commitment=0.25):
    D = codebook0.shape[1]
    # encoders: bottom -> top (each encodes the previous *raw* encoded tensor)
    enc0 = _patchify(inputs, 4) @ W_enc0 + b_enc0            # [B,56,56,D]
    emb0, emb0_pt, _ = _vq(enc0, codebook0)
    enc1 = _patchify(enc0, 2) @ W_enc1 + b_enc1              # [B,28,28,D]
    emb1, emb1_pt, _ = _vq(enc1, codebook1)
    total_vq_loss = _vq_loss(enc0, emb0, commitment) + _vq_loss(enc1, emb1, commitment)
    # decoders: top -> bottom
    # decoder 0: dec_inputs = [top vq out], target = enc0
    rec0 = _unpatchify(emb1_pt @ W_dec0 + b_dec0, 2, D)      # [B,56,56,D]
    mse0 = jnp.mean((rec0 - enc0) ** 2)
    # decoder 1: dec_inputs = [top vq out, bottom vq out], target = inputs
    up = _unpatchify(emb1_pt @ W_dec1_up + b_dec1_up, 2, D)  # [B,56,56,D]
    h = jax.nn.relu(jnp.concatenate([up, emb0_pt], axis=-1)) # [B,56,56,2D]
    rec1 = _unpatchify(h @ W_dec1_out + b_dec1_out, 4, inputs.shape[-1])
    final_mse = jnp.mean((rec1 - inputs) ** 2)
    total_vq_mse = mse0 + final_mse
    loss = total_vq_loss + total_vq_mse
    return loss, final_mse

if __name__ == "__main__":
    import jax
    _d = setup_inputs()
    print(jax.jit(kernel)(*tuple(_d.values())))

</pallas_src>

<mosaic_0001>
#map = affine_map<(d0, d1) -> (0, 0)>
#map1 = affine_map<(d0, d1) -> (0)>
module attributes {stable_mosaic.version = 14 : i64} {
  func.func @gather_k(%arg0: i32, %arg1: i32, %arg2: memref<512x128xf32, #tpu.memory_space<hbm>>, %arg3: memref<25088xi32, #tpu.memory_space<hbm>>, %arg4: memref<25088x128xf32, #tpu.memory_space<hbm>>, %arg5: memref<784xi32, #tpu.memory_space<vmem>>, %arg6: memref<784x128xf32, #tpu.memory_space<vmem>>, %arg7: memref<!tpu.dma_semaphore, #tpu.memory_space<semaphore_mem>>) attributes {dimension_semantics = [#tpu.dimension_semantics<core_parallel>, #tpu.dimension_semantics<subcore_parallel>], iteration_bounds = array<i64: 2, 16>, scalar_prefetch = 0 : i64, scratch_operands = 3 : i64, tpu.core_type = #tpu.core_type<sc_vector_subcore>, window_params = [{transform_indices = #map}, {transform_indices = #map1}, {transform_indices = #map}]} {
    %mul3A = arith.constant 2 : i32
    %mul3A_0 = arith.muli %arg1, %mul3A : i32
    %add3A = arith.addi %mul3A_0, %arg0 : i32
    %mul3A_1 = arith.constant 784 : i32
    %mul3A_2 = arith.muli %add3A, %mul3A_1 : i32
    "tpu.region"() ({
      %run_scoped3A = tpu.sem_alloc : memref<!tpu.dma_semaphore, #tpu.memory_space<semaphore_mem>>
      %dma_start3A_7 = tpu.memref_slice %arg3[%mul3A_2] : memref<25088xi32, #tpu.memory_space<hbm>> -> memref<784xi32, #tpu.memory_space<hbm>>
      %dma_start3A_8 = tpu.memref_slice %arg3[%mul3A_2] : memref<25088xi32, #tpu.memory_space<hbm>> -> memref<784xi32, #tpu.memory_space<hbm>>
      tpu.enqueue_dma source(%dma_start3A_8 : memref<784xi32, #tpu.memory_space<hbm>>) target(%arg5 : memref<784xi32, #tpu.memory_space<vmem>>) target_semaphore(%run_scoped3A : memref<!tpu.dma_semaphore, #tpu.memory_space<semaphore_mem>>)
      %dma_wait3A_9 = tpu.memref_slice %arg3[%mul3A_2] : memref<25088xi32, #tpu.memory_space<hbm>> -> memref<784xi32, #tpu.memory_space<hbm>>
      %dma_wait3A_10 = tpu.memref_slice %arg3[%mul3A_2] : memref<25088xi32, #tpu.memory_space<hbm>> -> memref<784xi32, #tpu.memory_space<hbm>>
      tpu.wait_dma2 semaphore(%run_scoped3A : memref<!tpu.dma_semaphore, #tpu.memory_space<semaphore_mem>>) src(%dma_wait3A_10 : memref<784xi32, #tpu.memory_space<hbm>>) dst(%arg5 : memref<784xi32, #tpu.memory_space<vmem>>)
      tpu.yield
    }) : () -> ()
    %dma_start3A = arith.constant 0 : i32
    %dma_start3A_3 = arith.constant 0 : i32
    %dma_start3A_4 = tpu.memref_slice %arg2[%dma_start3A, %dma_start3A_3] : memref<512x128xf32, #tpu.memory_space<hbm>> -> memref<512x128xf32, #tpu.memory_space<hbm>>
    tpu.enqueue_indirect_dma source(%dma_start3A_4 : memref<512x128xf32, #tpu.memory_space<hbm>>) target(%arg6 : memref<784x128xf32, #tpu.memory_space<vmem>>) offsets(%arg5 : memref<784xi32, #tpu.memory_space<vmem>>) semaphore(%arg7 : memref<!tpu.dma_semaphore, #tpu.memory_space<semaphore_mem>>)
    %dma_wait3A = arith.constant 0 : i32
    %dma_wait3A_5 = arith.constant 0 : i32
    %dma_wait3A_6 = tpu.memref_slice %arg2[%dma_wait3A, %dma_wait3A_5] : memref<512x128xf32, #tpu.memory_space<hbm>> -> memref<512x128xf32, #tpu.memory_space<hbm>>
    tpu.wait_indirect_dma semaphore(%arg7 : memref<!tpu.dma_semaphore, #tpu.memory_space<semaphore_mem>>) src(%dma_wait3A_6 : memref<512x128xf32, #tpu.memory_space<hbm>>) dst(%arg6 : memref<784x128xf32, #tpu.memory_space<vmem>>)
    "tpu.region"() ({
      %run_scoped3A = tpu.sem_alloc : memref<!tpu.dma_semaphore, #tpu.memory_space<semaphore_mem>>
      %dma_start3A_7 = arith.constant 0 : i32
      %dma_start3A_8 = tpu.memref_slice %arg4[%mul3A_2, %dma_start3A_7] : memref<25088x128xf32, #tpu.memory_space<hbm>> -> memref<784x128xf32, #tpu.memory_space<hbm>>
      %dma_start3A_9 = arith.constant 0 : i32
      %dma_start3A_10 = tpu.memref_slice %arg4[%mul3A_2, %dma_start3A_9] : memref<25088x128xf32, #tpu.memory_space<hbm>> -> memref<784x128xf32, #tpu.memory_space<hbm>>
      tpu.enqueue_dma source(%arg6 : memref<784x128xf32, #tpu.memory_space<vmem>>) target(%dma_start3A_10 : memref<784x128xf32, #tpu.memory_space<hbm>>) target_semaphore(%run_scoped3A : memref<!tpu.dma_semaphore, #tpu.memory_space<semaphore_mem>>)
      %dma_wait3A_11 = arith.constant 0 : i32
      %dma_wait3A_12 = tpu.memref_slice %arg4[%mul3A_2, %dma_wait3A_11] : memref<25088x128xf32, #tpu.memory_space<hbm>> -> memref<784x128xf32, #tpu.memory_space<hbm>>
      %dma_wait3A_13 = arith.constant 0 : i32
      %dma_wait3A_14 = tpu.memref_slice %arg4[%mul3A_2, %dma_wait3A_13] : memref<25088x128xf32, #tpu.memory_space<hbm>> -> memref<784x128xf32, #tpu.memory_space<hbm>>
      tpu.wait_dma2 semaphore(%run_scoped3A : memref<!tpu.dma_semaphore, #tpu.memory_space<semaphore_mem>>) src(%arg6 : memref<784x128xf32, #tpu.memory_space<vmem>>) dst(%dma_wait3A_14 : memref<784x128xf32, #tpu.memory_space<hbm>>)
      tpu.yield
    }) : () -> ()
    return
  }
}

#map = affine_map<(d0, d1) -> (0, 0)>
#map1 = affine_map<(d0, d1) -> (0)>
module attributes {stable_mosaic.version = 14 : i64} {
  func.func @gather_k(%arg0: i32, %arg1: i32, %arg2: memref<512x128xf32, #tpu.memory_space<hbm>>, %arg3: memref<6400xi32, #tpu.memory_space<hbm>>, %arg4: memref<6400x128xf32, #tpu.memory_space<hbm>>, %arg5: memref<200xi32, #tpu.memory_space<vmem>>, %arg6: memref<200x128xf32, #tpu.memory_space<vmem>>, %arg7: memref<!tpu.dma_semaphore, #tpu.memory_space<semaphore_mem>>) attributes {dimension_semantics = [#tpu.dimension_semantics<core_parallel>, #tpu.dimension_semantics<subcore_parallel>], iteration_bounds = array<i64: 2, 16>, scalar_prefetch = 0 : i64, scratch_operands = 3 : i64, tpu.core_type = #tpu.core_type<sc_vector_subcore>, window_params = [{transform_indices = #map}, {transform_indices = #map1}, {transform_indices = #map}]} {
    %mul3A = arith.constant 2 : i32
    %mul3A_0 = arith.muli %arg1, %mul3A : i32
    %add3A = arith.addi %mul3A_0, %arg0 : i32
    %mul3A_1 = arith.constant 200 : i32
    %mul3A_2 = arith.muli %add3A, %mul3A_1 : i32
    "tpu.region"() ({
      %run_scoped3A = tpu.sem_alloc : memref<!tpu.dma_semaphore, #tpu.memory_space<semaphore_mem>>
      %dma_start3A_7 = tpu.memref_slice %arg3[%mul3A_2] : memref<6400xi32, #tpu.memory_space<hbm>> -> memref<200xi32, #tpu.memory_space<hbm>>
      %dma_start3A_8 = tpu.memref_slice %arg3[%mul3A_2] : memref<6400xi32, #tpu.memory_space<hbm>> -> memref<200xi32, #tpu.memory_space<hbm>>
      tpu.enqueue_dma source(%dma_start3A_8 : memref<200xi32, #tpu.memory_space<hbm>>) target(%arg5 : memref<200xi32, #tpu.memory_space<vmem>>) target_semaphore(%run_scoped3A : memref<!tpu.dma_semaphore, #tpu.memory_space<semaphore_mem>>)
      %dma_wait3A_9 = tpu.memref_slice %arg3[%mul3A_2] : memref<6400xi32, #tpu.memory_space<hbm>> -> memref<200xi32, #tpu.memory_space<hbm>>
      %dma_wait3A_10 = tpu.memref_slice %arg3[%mul3A_2] : memref<6400xi32, #tpu.memory_space<hbm>> -> memref<200xi32, #tpu.memory_space<hbm>>
      tpu.wait_dma2 semaphore(%run_scoped3A : memref<!tpu.dma_semaphore, #tpu.memory_space<semaphore_mem>>) src(%dma_wait3A_10 : memref<200xi32, #tpu.memory_space<hbm>>) dst(%arg5 : memref<200xi32, #tpu.memory_space<vmem>>)
      tpu.yield
    }) : () -> ()
    %dma_start3A = arith.constant 0 : i32
    %dma_start3A_3 = arith.constant 0 : i32
    %dma_start3A_4 = tpu.memref_slice %arg2[%dma_start3A, %dma_start3A_3] : memref<512x128xf32, #tpu.memory_space<hbm>> -> memref<512x128xf32, #tpu.memory_space<hbm>>
    tpu.enqueue_indirect_dma source(%dma_start3A_4 : memref<512x128xf32, #tpu.memory_space<hbm>>) target(%arg6 : memref<200x128xf32, #tpu.memory_space<vmem>>) offsets(%arg5 : memref<200xi32, #tpu.memory_space<vmem>>) semaphore(%arg7 : memref<!tpu.dma_semaphore, #tpu.memory_space<semaphore_mem>>)
    %dma_wait3A = arith.constant 0 : i32
    %dma_wait3A_5 = arith.constant 0 : i32
    %dma_wait3A_6 = tpu.memref_slice %arg2[%dma_wait3A, %dma_wait3A_5] : memref<512x128xf32, #tpu.memory_space<hbm>> -> memref<512x128xf32, #tpu.memory_space<hbm>>
    tpu.wait_indirect_dma semaphore(%arg7 : memref<!tpu.dma_semaphore, #tpu.memory_space<semaphore_mem>>) src(%dma_wait3A_6 : memref<512x128xf32, #tpu.memory_space<hbm>>) dst(%arg6 : memref<200x128xf32, #tpu.memory_space<vmem>>)
    "tpu.region"() ({
      %run_scoped3A = tpu.sem_alloc : memref<!tpu.dma_semaphore, #tpu.memory_space<semaphore_mem>>
      %dma_start3A_7 = arith.constant 0 : i32
      %dma_start3A_8 = tpu.memref_slice %arg4[%mul3A_2, %dma_start3A_7] : memref<6400x128xf32, #tpu.memory_space<hbm>> -> memref<200x128xf32, #tpu.memory_space<hbm>>
      %dma_start3A_9 = arith.constant 0 : i32
      %dma_start3A_10 = tpu.memref_slice %arg4[%mul3A_2, %dma_start3A_9] : memref<6400x128xf32, #tpu.memory_space<hbm>> -> memref<200x128xf32, #tpu.memory_space<hbm>>
      tpu.enqueue_dma source(%arg6 : memref<200x128xf32, #tpu.memory_space<vmem>>) target(%dma_start3A_10 : memref<200x128xf32, #tpu.memory_space<hbm>>) target_semaphore(%run_scoped3A : memref<!tpu.dma_semaphore, #tpu.memory_space<semaphore_mem>>)
      %dma_wait3A_11 = arith.constant 0 : i32
      %dma_wait3A_12 = tpu.memref_slice %arg4[%mul3A_2, %dma_wait3A_11] : memref<6400x128xf32, #tpu.memory_space<hbm>> -> memref<200x128xf32, #tpu.memory_space<hbm>>
      %dma_wait3A_13 = arith.constant 0 : i32
      %dma_wait3A_14 = tpu.memref_slice %arg4[%mul3A_2, %dma_wait3A_13] : memref<6400x128xf32, #tpu.memory_space<hbm>> -> memref<200x128xf32, #tpu.memory_space<hbm>>
      tpu.wait_dma2 semaphore(%run_scoped3A : memref<!tpu.dma_semaphore, #tpu.memory_space<semaphore_mem>>) src(%arg6 : memref<200x128xf32, #tpu.memory_space<vmem>>) dst(%dma_wait3A_14 : memref<200x128xf32, #tpu.memory_space<hbm>>)
      tpu.yield
    }) : () -> ()
    return
  }
}

module attributes {stable_mosaic.version = 14 : i64} {
  func.func @_enc_body(%arg0: i32, %arg1: memref<4x784x48xf32, #tpu.memory_space<vmem>>, %arg2: memref<48x128xf32, #tpu.memory_space<vmem>>, %arg3: memref<1x128xf32, #tpu.memory_space<vmem>>, %arg4: memref<4x128x128xf32, #tpu.memory_space<vmem>>, %arg5: memref<1x128xf32, #tpu.memory_space<vmem>>, %arg6: memref<128x512xf32, #tpu.memory_space<vmem>>, %arg7: memref<128x512xf32, #tpu.memory_space<vmem>>, %arg8: memref<4x784x1xi32, #tpu.memory_space<vmem>>, %arg9: memref<784x1xi32, #tpu.memory_space<vmem>>, %arg10: memref<1x1xf32, #tpu.memory_space<smem>>, %arg11: memref<1x1xf32, #tpu.memory_space<smem>>, %arg12: memref<784x128xf32, #tpu.memory_space<vmem>>) attributes {dimension_semantics = [#tpu.dimension_semantics<arbitrary>], iteration_bounds = array<i64: 8>, scalar_prefetch = 0 : i64, scratch_operands = 1 : i64, tpu.core_type = #tpu.core_type<tc>, window_params = [{transform_indices = @transform_0, window_bounds = array<i64: 4, 784, 48>}, {pipeline_mode = #tpu.pipeline_mode<synchronous>, transform_indices = @transform_1, window_bounds = array<i64: 48, 128>}, {pipeline_mode = #tpu.pipeline_mode<synchronous>, transform_indices = @transform_2, window_bounds = array<i64: 1, 128>}, {pipeline_mode = #tpu.pipeline_mode<synchronous>, transform_indices = @transform_3, window_bounds = array<i64: 4, 128, 128>}, {pipeline_mode = #tpu.pipeline_mode<synchronous>, transform_indices = @transform_4, window_bounds = array<i64: 1, 128>}, {pipeline_mode = #tpu.pipeline_mode<synchronous>, transform_indices = @transform_5, window_bounds = array<i64: 128, 512>}, {pipeline_mode = #tpu.pipeline_mode<synchronous>, transform_indices = @transform_6, window_bounds = array<i64: 128, 512>}, {transform_indices = @transform_7, window_bounds = array<i64: 4, 784, 1>}, {transform_indices = @transform_8, window_bounds = array<i64: 784, 1>}, {transform_indices = @transform_9, window_bounds = array<i64: 1, 1>}, {transform_indices = @transform_10, window_bounds = array<i64: 1, 1>}]} {
    %eq3A = arith.constant 0 : i32
    %eq3A_0 = arith.cmpi eq, %arg0, %eq3A : i32
    %convert_element_type3A = arith.extui %eq3A_0 : i1 to i32
    %cond3A = arith.constant 0 : i32
    %cond3A_1 = arith.cmpi ne, %convert_element_type3A, %cond3A : i32
    scf.if %cond3A_1 {
      %swap3A_211 = arith.constant 0.000000e+00 : f32
      %swap3A_212 = arith.constant 0 : index
      %swap3A_213 = arith.constant 0 : index
      %swap3A_214 = memref.load %arg10[%swap3A_212, %swap3A_213] : memref<1x1xf32, #tpu.memory_space<smem>>
      memref.store %swap3A_211, %arg10[%swap3A_212, %swap3A_213] : memref<1x1xf32, #tpu.memory_space<smem>>
      %swap3A_215 = arith.constant 0.000000e+00 : f32
      %swap3A_216 = arith.constant 0 : index
      %swap3A_217 = arith.constant 0 : index
      %swap3A_218 = memref.load %arg11[%swap3A_216, %swap3A_217] : memref<1x1xf32, #tpu.memory_space<smem>>
      memref.store %swap3A_215, %arg11[%swap3A_216, %swap3A_217] : memref<1x1xf32, #tpu.memory_space<smem>>
    } else {
    }
    %get3A = arith.constant 0 : index
    %get3A_2 = arith.constant 0 : index
    %get3A_3 = arith.constant 0 : index
    %get3A_4 = vector.load %arg1[%get3A, %get3A_2, %get3A_3] : memref<4x784x48xf32, #tpu.memory_space<vmem>>, vector<1x784x48xf32>
    %get3A_5 = vector.shape_cast %get3A_4 : vector<1x784x48xf32> to vector<784x48xf32>
    %get3A_6 = arith.constant 1 : index
    %get3A_7 = arith.constant 0 : index
    %get3A_8 = arith.constant 0 : index
    %get3A_9 = vector.load %arg1[%get3A_6, %get3A_7, %get3A_8] : memref<4x784x48xf32, #tpu.memory_space<vmem>>, vector<1x784x48xf32>
    %get3A_10 = vector.shape_cast %get3A_9 : vector<1x784x48xf32> to vector<784x48xf32>
    %get3A_11 = arith.constant 2 : index
    %get3A_12 = arith.constant 0 : index
    %get3A_13 = arith.constant 0 : index
    %get3A_14 = vector.load %arg1[%get3A_11, %get3A_12, %get3A_13] : memref<4x784x48xf32, #tpu.memory_space<vmem>>, vector<1x784x48xf32>
    %get3A_15 = vector.shape_cast %get3A_14 : vector<1x784x48xf32> to vector<784x48xf32>
    %get3A_16 = arith.constant 3 : index
    %get3A_17 = arith.constant 0 : index
    %get3A_18 = arith.constant 0 : index
    %get3A_19 = vector.load %arg1[%get3A_16, %get3A_17, %get3A_18] : memref<4x784x48xf32, #tpu.memory_space<vmem>>, vector<1x784x48xf32>
    %get3A_20 = vector.shape_cast %get3A_19 : vector<1x784x48xf32> to vector<784x48xf32>
    %concatenate3A = tpu.concatenate %get3A_5, %get3A_10, %get3A_15, %get3A_20 in 0 : vector<784x48xf32>, vector<784x48xf32>, vector<784x48xf32>, vector<784x48xf32> -> vector<3136x48xf32>
    %get3A_21 = arith.constant 0 : index
    %get3A_22 = arith.constant 0 : index
    %get3A_23 = vector.load %arg2[%get3A_21, %get3A_22] : memref<48x128xf32, #tpu.memory_space<vmem>>, vector<48x128xf32>
    %dot_general3A = arith.constant dense<0.000000e+00> : vector<3136x128xf32>
    %dot_general3A_24 = tpu.matmul %concatenate3A, %get3A_23, %dot_general3A {dimension_numbers = #tpu.dot_dimension_numbers<[1], [0], [0], [1], [0, 0, 1, 1], [], []>, transpose_lhs_hint = false} : vector<3136x48xf32>, vector<48x128xf32>, vector<3136x128xf32> -> vector<3136x128xf32>
    %get3A_25 = arith.constant 0 : index
    %get3A_26 = arith.constant 0 : index
    %get3A_27 = vector.load %arg3[%get3A_25, %get3A_26] : memref<1x128xf32, #tpu.memory_space<vmem>>, vector<1x128xf32>
    %add3A = vector.broadcast %get3A_27 : vector<1x128xf32> to vector<3136x128xf32>
    %add3A_28 = arith.addf %dot_general3A_24, %add3A : vector<3136x128xf32>
    %get3A_29 = arith.constant 0 : index
    %get3A_30 = arith.constant 0 : index
    %get3A_31 = vector.load %arg6[%get3A_29, %get3A_30] : memref<128x512xf32, #tpu.memory_space<vmem>>, vector<128x512xf32>
    %dot_general3A_32 = arith.constant dense<0.000000e+00> : vector<3136x512xf32>
    %dot_general3A_33 = tpu.matmul %add3A_28, %get3A_31, %dot_general3A_32 {dimension_numbers = #tpu.dot_dimension_numbers<[1], [0], [0], [1], [0, 0, 1, 1], [], []>, transpose_lhs_hint = false} : vector<3136x128xf32>, vector<128x512xf32>, vector<3136x512xf32> -> vector<3136x512xf32>
    %mul3A = arith.mulf %get3A_31, %get3A_31 : vector<128x512xf32>
    %reduce_sum3A = arith.constant dense<0.000000e+00> : vector<512xf32>
    %reduce_sum3A_34 = vector.multi_reduction <add>, %mul3A, %reduce_sum3A [0] : vector<128x512xf32> to vector<512xf32>
    %broadcast_in_dim3A = vector.shape_cast %reduce_sum3A_34 : vector<512xf32> to vector<1x512xf32>
    %mul3A_35 = arith.constant 2.000000e+00 : f32
    %mul3A_36 = vector.broadcast %mul3A_35 : f32 to vector<3136x512xf32>
    %mul3A_37 = arith.mulf %mul3A_36, %dot_general3A_33 : vector<3136x512xf32>
    %sub3A = vector.broadcast %broadcast_in_dim3A : vector<1x512xf32> to vector<3136x512xf32>
    %sub3A_38 = arith.subf %sub3A, %mul3A_37 : vector<3136x512xf32>
    %reduce_min3A = arith.constant dense<0x7F800000> : vector<3136xf32>
    %reduce_min3A_39 = vector.multi_reduction <minimumf>, %sub3A_38, %reduce_min3A [1] : vector<3136x512xf32> to vector<3136xf32>
    %broadcast_in_dim3A_40 = vector.shape_cast %reduce_min3A_39 : vector<3136xf32> to vector<3136x1xf32>
    %iota3A = tpu.iota {dimensions = array<i32: 1>} : vector<3136x512xi32>
    %eq3A_41 = vector.broadcast %broadcast_in_dim3A_40 : vector<3136x1xf32> to vector<3136x512xf32>
    %eq3A_42 = arith.cmpf oeq, %sub3A_38, %eq3A_41 : vector<3136x512xf32>
    %jit3A = arith.constant 512 : i32
    %broadcast_in_dim3A_43 = vector.broadcast %jit3A : i32 to vector<3136x512xi32>
    %select_n3A = arith.select %eq3A_42, %iota3A, %broadcast_in_dim3A_43 : vector<3136x512xi1>, vector<3136x512xi32>
    %reduce_min3A_44 = arith.constant dense<2147483647> : vector<3136xi32>
    %reduce_min3A_45 = vector.multi_reduction <minsi>, %select_n3A, %reduce_min3A_44 [1] : vector<3136x512xi32> to vector<3136xi32>
    %broadcast_in_dim3A_46 = vector.shape_cast %reduce_min3A_45 : vector<3136xi32> to vector<3136x1xi32>
    %mul3A_47 = arith.mulf %add3A_28, %add3A_28 : vector<3136x128xf32>
    %reduce_sum3A_48 = vector.shape_cast %mul3A_47 : vector<3136x128xf32> to vector<1x3136x128xf32>
    %reduce_sum3A_49 = arith.constant dense<0.000000e+00> : vector<1xf32>
    %reduce_sum3A_50 = vector.multi_reduction <add>, %reduce_sum3A_48, %reduce_sum3A_49 [1, 2] : vector<1x3136x128xf32> to vector<1xf32>
    %reduce_sum3A_51 = vector.shape_cast %reduce_sum3A_50 : vector<1xf32> to vector<1x1x1xf32>
    %reduce_sum3A_52 = vector.extract %reduce_sum3A_51[0, 0, 0] : f32 from vector<1x1x1xf32>
    %reduce_sum3A_53 = vector.shape_cast %broadcast_in_dim3A_40 : vector<3136x1xf32> to vector<1x3136x1xf32>
    %reduce_sum3A_54 = arith.constant dense<0.000000e+00> : vector<1xf32>
    %reduce_sum3A_55 = vector.multi_reduction <add>, %reduce_sum3A_53, %reduce_sum3A_54 [1, 2] : vector<1x3136x1xf32> to vector<1xf32>
    %reduce_sum3A_56 = vector.shape_cast %reduce_sum3A_55 : vector<1xf32> to vector<1x1x1xf32>
    %reduce_sum3A_57 = vector.extract %reduce_sum3A_56[0, 0, 0] : f32 from vector<1x1x1xf32>
    %add3A_58 = arith.addf %reduce_sum3A_52, %reduce_sum3A_57 : f32
    %get3A_59 = arith.constant 0 : index
    %get3A_60 = arith.constant 0 : index
    %get3A_61 = vector.load %arg5[%get3A_59, %get3A_60] : memref<1x128xf32, #tpu.memory_space<vmem>>, vector<1x128xf32>
    %broadcast_in_dim3A_62 = vector.shape_cast %get3A_61 : vector<1x128xf32> to vector<1x128xf32>
    %broadcast_in_dim3A_63 = vector.broadcast %broadcast_in_dim3A_62 : vector<1x128xf32> to vector<784x128xf32>
    %swap3A = arith.constant 0 : index
    %swap3A_64 = arith.constant 0 : index
    %swap3A_65 = vector.load %arg12[%swap3A, %swap3A_64] : memref<784x128xf32, #tpu.memory_space<vmem>>, vector<784x128xf32>
    tpu.vector_store %arg12[%swap3A, %swap3A_64], %broadcast_in_dim3A_63 {strides = array<i32>} : memref<784x128xf32, #tpu.memory_space<vmem>>, vector<784x128xf32>,
    %slice3A = vector.extract_strided_slice %add3A_28 {offsets = [0, 0], sizes = [784, 128], strides = [1, 1]} : vector<3136x128xf32> to vector<784x128xf32>
    %slice3A_66 = vector.extract_strided_slice %broadcast_in_dim3A_46 {offsets = [0, 0], sizes = [784, 1], strides = [1, 1]} : vector<3136x1xi32> to vector<784x1xi32>
    %swap3A_67 = arith.constant 0 : index
    %swap3A_68 = arith.constant 0 : index
    %swap3A_69 = arith.constant 0 : index
    %swap3A_70 = vector.load %arg8[%swap3A_67, %swap3A_68, %swap3A_69] : memref<4x784x1xi32, #tpu.memory_space<vmem>>, vector<1x784x1xi32>
    %swap3A_71 = vector.shape_cast %swap3A_70 : vector<1x784x1xi32> to vector<784x1xi32>
    %swap3A_72 = vector.shape_cast %slice3A_66 : vector<784x1xi32> to vector<1x784x1xi32>
    tpu.vector_store %arg8[%swap3A_67, %swap3A_68, %swap3A_69], %swap3A_72 {strides = array<i32>} : memref<4x784x1xi32, #tpu.memory_space<vmem>>, vector<1x784x1xi32>,
    %get3A_73 = arith.constant 0 : index
    %get3A_74 = arith.constant 0 : index
    %get3A_75 = vector.load %arg12[%get3A_73, %get3A_74] : memref<784x128xf32, #tpu.memory_space<vmem>>, vector<784x128xf32>
    %get3A_76 = arith.constant 0 : index
    %get3A_77 = arith.constant 0 : index
    %get3A_78 = arith.constant 0 : index
    %get3A_79 = vector.load %arg4[%get3A_76, %get3A_77, %get3A_78] : memref<4x128x128xf32, #tpu.memory_space<vmem>>, vector<1x128x128xf32>
    %get3A_80 = vector.shape_cast %get3A_79 : vector<1x128x128xf32> to vector<128x128xf32>
    %dot_general3A_81 = arith.constant dense<0.000000e+00> : vector<784x128xf32>
    %dot_general3A_82 = tpu.matmul %slice3A, %get3A_80, %dot_general3A_81 {dimension_numbers = #tpu.dot_dimension_numbers<[1], [0], [0], [1], [0, 0, 1, 1], [], []>, transpose_lhs_hint = false} : vector<784x128xf32>, vector<128x128xf32>, vector<784x128xf32> -> vector<784x128xf32>
    %add3A_83 = arith.addf %get3A_75, %dot_general3A_82 : vector<784x128xf32>
    %swap3A_84 = arith.constant 0 : index
    %swap3A_85 = arith.constant 0 : index
    %swap3A_86 = vector.load %arg12[%swap3A_84, %swap3A_85] : memref<784x128xf32, #tpu.memory_space<vmem>>, vector<784x128xf32>
    tpu.vector_store %arg12[%swap3A_84, %swap3A_85], %add3A_83 {strides = array<i32>} : memref<784x128xf32, #tpu.memory_space<vmem>>, vector<784x128xf32>,
    %slice3A_87 = vector.extract_strided_slice %add3A_28 {offsets = [784, 0], sizes = [784, 128], strides = [1, 1]} : vector<3136x128xf32> to vector<784x128xf32>
    %slice3A_88 = vector.extract_strided_slice %broadcast_in_dim3A_46 {offsets = [784, 0], sizes = [784, 1], strides = [1, 1]} : vector<3136x1xi32> to vector<784x1xi32>
    %swap3A_89 = arith.constant 1 : index
    %swap3A_90 = arith.constant 0 : index
    %swap3A_91 = arith.constant 0 : index
    %swap3A_92 = vector.load %arg8[%swap3A_89, %swap3A_90, %swap3A_91] : memref<4x784x1xi32, #tpu.memory_space<vmem>>, vector<1x784x1xi32>
    %swap3A_93 = vector.shape_cast %swap3A_92 : vector<1x784x1xi32> to vector<784x1xi32>
    %swap3A_94 = vector.shape_cast %slice3A_88 : vector<784x1xi32> to vector<1x784x1xi32>
    tpu.vector_store %arg8[%swap3A_89, %swap3A_90, %swap3A_91], %swap3A_94 {strides = array<i32>} : memref<4x784x1xi32, #tpu.memory_space<vmem>>, vector<1x784x1xi32>,
    %get3A_95 = arith.constant 0 : index
    %get3A_96 = arith.constant 0 : index
    %get3A_97 = vector.load %arg12[%get3A_95, %get3A_96] : memref<784x128xf32, #tpu.memory_space<vmem>>, vector<784x128xf32>
    %get3A_98 = arith.constant 1 : index
    %get3A_99 = arith.constant 0 : index
    %get3A_100 = arith.constant 0 : index
    %get3A_101 = vector.load %arg4[%get3A_98, %get3A_99, %get3A_100] : memref<4x128x128xf32, #tpu.memory_space<vmem>>, vector<1x128x128xf32>
    %get3A_102 = vector.shape_cast %get3A_101 : vector<1x128x128xf32> to vector<128x128xf32>
    %dot_general3A_103 = arith.constant dense<0.000000e+00> : vector<784x128xf32>
    %dot_general3A_104 = tpu.matmul %slice3A_87, %get3A_102, %dot_general3A_103 {dimension_numbers = #tpu.dot_dimension_numbers<[1], [0], [0], [1], [0, 0, 1, 1], [], []>, transpose_lhs_hint = false} : vector<784x128xf32>, vector<128x128xf32>, vector<784x128xf32> -> vector<784x128xf32>
    %add3A_105 = arith.addf %get3A_97, %dot_general3A_104 : vector<784x128xf32>
    %swap3A_106 = arith.constant 0 : index
    %swap3A_107 = arith.constant 0 : index
    %swap3A_108 = vector.load %arg12[%swap3A_106, %swap3A_107] : memref<784x128xf32, #tpu.memory_space<vmem>>, vector<784x128xf32>
    tpu.vector_store %arg12[%swap3A_106, %swap3A_107], %add3A_105 {strides = array<i32>} : memref<784x128xf32, #tpu.memory_space<vmem>>, vector<784x128xf32>,
    %slice3A_109 = vector.extract_strided_slice %add3A_28 {offsets = [1568, 0], sizes = [784, 128], strides = [1, 1]} : vector<3136x128xf32> to vector<784x128xf32>
    %slice3A_110 = vector.extract_strided_slice %broadcast_in_dim3A_46 {offsets = [1568, 0], sizes = [784, 1], strides = [1, 1]} : vector<3136x1xi32> to vector<784x1xi32>
    %swap3A_111 = arith.constant 2 : index
    %swap3A_112 = arith.constant 0 : index
    %swap3A_113 = arith.constant 0 : index
    %swap3A_114 = vector.load %arg8[%swap3A_111, %swap3A_112, %swap3A_113] : memref<4x784x1xi32, #tpu.memory_space<vmem>>, vector<1x784x1xi32>
    %swap3A_115 = vector.shape_cast %swap3A_114 : vector<1x784x1xi32> to vector<784x1xi32>
    %swap3A_116 = vector.shape_cast %slice3A_110 : vector<784x1xi32> to vector<1x784x1xi32>
    tpu.vector_store %arg8[%swap3A_111, %swap3A_112, %swap3A_113], %swap3A_116 {strides = array<i32>} : memref<4x784x1xi32, #tpu.memory_space<vmem>>, vector<1x784x1xi32>,
    %get3A_117 = arith.constant 0 : index
    %get3A_118 = arith.constant 0 : index
    %get3A_119 = vector.load %arg12[%get3A_117, %get3A_118] : memref<784x128xf32, #tpu.memory_space<vmem>>, vector<784x128xf32>
    %get3A_120 = arith.constant 2 : index
    %get3A_121 = arith.constant 0 : index
    %get3A_122 = arith.constant 0 : index
    %get3A_123 = vector.load %arg4[%get3A_120, %get3A_121, %get3A_122] : memref<4x128x128xf32, #tpu.memory_space<vmem>>, vector<1x128x128xf32>
    %get3A_124 = vector.shape_cast %get3A_123 : vector<1x128x128xf32> to vector<128x128xf32>
    %dot_general3A_125 = arith.constant dense<0.000000e+00> : vector<784x128xf32>
    %dot_general3A_126 = tpu.matmul %slice3A_109, %get3A_124, %dot_general3A_125 {dimension_numbers = #tpu.dot_dimension_numbers<[1], [0], [0], [1], [0, 0, 1, 1], [], []>, transpose_lhs_hint = false} : vector<784x128xf32>, vector<128x128xf32>, vector<784x128xf32> -> vector<784x128xf32>
    %add3A_127 = arith.addf %get3A_119, %dot_general3A_126 : vector<784x128xf32>
    %swap3A_128 = arith.constant 0 : index
    %swap3A_129 = arith.constant 0 : index
    %swap3A_130 = vector.load %arg12[%swap3A_128, %swap3A_129] : memref<784x128xf32, #tpu.memory_space<vmem>>, vector<784x128xf32>
    tpu.vector_store %arg12[%swap3A_128, %swap3A_129], %add3A_127 {strides = array<i32>} : memref<784x128xf32, #tpu.memory_space<vmem>>, vector<784x128xf32>,
    %slice3A_131 = vector.extract_strided_slice %add3A_28 {offsets = [2352, 0], sizes = [784, 128], strides = [1, 1]} : vector<3136x128xf32> to vector<784x128xf32>
    %slice3A_132 = vector.extract_strided_slice %broadcast_in_dim3A_46 {offsets = [2352, 0], sizes = [784, 1], strides = [1, 1]} : vector<3136x1xi32> to vector<784x1xi32>
    %swap3A_133 = arith.constant 3 : index
    %swap3A_134 = arith.constant 0 : index
    %swap3A_135 = arith.constant 0 : index
    %swap3A_136 = vector.load %arg8[%swap3A_133, %swap3A_134, %swap3A_135] : memref<4x784x1xi32, #tpu.memory_space<vmem>>, vector<1x784x1xi32>
    %swap3A_137 = vector.shape_cast %swap3A_136 : vector<1x784x1xi32> to vector<784x1xi32>
    %swap3A_138 = vector.shape_cast %slice3A_132 : vector<784x1xi32> to vector<1x784x1xi32>
    tpu.vector_store %arg8[%swap3A_133, %swap3A_134, %swap3A_135], %swap3A_138 {strides = array<i32>} : memref<4x784x1xi32, #tpu.memory_space<vmem>>, vector<1x784x1xi32>,
    %get3A_139 = arith.constant 0 : index
    %get3A_140 = arith.constant 0 : index
    %get3A_141 = vector.load %arg12[%get3A_139, %get3A_140] : memref<784x128xf32, #tpu.memory_space<vmem>>, vector<784x128xf32>
    %get3A_142 = arith.constant 3 : index
    %get3A_143 = arith.constant 0 : index
    %get3A_144 = arith.constant 0 : index
    %get3A_145 = vector.load %arg4[%get3A_142, %get3A_143, %get3A_144] : memref<4x128x128xf32, #tpu.memory_space<vmem>>, vector<1x128x128xf32>
    %get3A_146 = vector.shape_cast %get3A_145 : vector<1x128x128xf32> to vector<128x128xf32>
    %dot_general3A_147 = arith.constant dense<0.000000e+00> : vector<784x128xf32>
    %dot_general3A_148 = tpu.matmul %slice3A_131, %get3A_146, %dot_general3A_147 {dimension_numbers = #tpu.dot_dimension_numbers<[1], [0], [0], [1], [0, 0, 1, 1], [], []>, transpose_lhs_hint = false} : vector<784x128xf32>, vector<128x128xf32>, vector<784x128xf32> -> vector<784x128xf32>
    %add3A_149 = arith.addf %get3A_141, %dot_general3A_148 : vector<784x128xf32>
    %swap3A_150 = arith.constant 0 : index
    %swap3A_151 = arith.constant 0 : index
    %swap3A_152 = vector.load %arg12[%swap3A_150, %swap3A_151] : memref<784x128xf32, #tpu.memory_space<vmem>>, vector<784x128xf32>
    tpu.vector_store %arg12[%swap3A_150, %swap3A_151], %add3A_149 {strides = array<i32>} : memref<784x128xf32, #tpu.memory_space<vmem>>, vector<784x128xf32>,
    %get3A_153 = arith.constant 0 : index
    %get3A_154 = arith.constant 0 : index
    %get3A_155 = vector.load %arg12[%get3A_153, %get3A_154] : memref<784x128xf32, #tpu.memory_space<vmem>>, vector<784x128xf32>
    %get3A_156 = arith.constant 0 : index
    %get3A_157 = arith.constant 0 : index
    %get3A_158 = vector.load %arg7[%get3A_156, %get3A_157] : memref<128x512xf32, #tpu.memory_space<vmem>>, vector<128x512xf32>
    %dot_general3A_159 = arith.constant dense<0.000000e+00> : vector<784x512xf32>
    %dot_general3A_160 = tpu.matmul %get3A_155, %get3A_158, %dot_general3A_159 {dimension_numbers = #tpu.dot_dimension_numbers<[1], [0], [0], [1], [0, 0, 1, 1], [], []>, transpose_lhs_hint = false} : vector<784x128xf32>, vector<128x512xf32>, vector<784x512xf32> -> vector<784x512xf32>
    %mul3A_161 = arith.mulf %get3A_158, %get3A_158 : vector<128x512xf32>
    %reduce_sum3A_162 = arith.constant dense<0.000000e+00> : vector<512xf32>
    %reduce_sum3A_163 = vector.multi_reduction <add>, %mul3A_161, %reduce_sum3A_162 [0] : vector<128x512xf32> to vector<512xf32>
    %broadcast_in_dim3A_164 = vector.shape_cast %reduce_sum3A_163 : vector<512xf32> to vector<1x512xf32>
    %mul3A_165 = arith.constant 2.000000e+00 : f32
    %mul3A_166 = vector.broadcast %mul3A_165 : f32 to vector<784x512xf32>
    %mul3A_167 = arith.mulf %mul3A_166, %dot_general3A_160 : vector<784x512xf32>
    %sub3A_168 = vector.broadcast %broadcast_in_dim3A_164 : vector<1x512xf32> to vector<784x512xf32>
    %sub3A_169 = arith.subf %sub3A_168, %mul3A_167 : vector<784x512xf32>
    %reduce_min3A_170 = arith.constant dense<0x7F800000> : vector<784xf32>
    %reduce_min3A_171 = vector.multi_reduction <minimumf>, %sub3A_169, %reduce_min3A_170 [1] : vector<784x512xf32> to vector<784xf32>
    %broadcast_in_dim3A_172 = vector.shape_cast %reduce_min3A_171 : vector<784xf32> to vector<784x1xf32>
    %iota3A_173 = tpu.iota {dimensions = array<i32: 1>} : vector<784x512xi32>
    %eq3A_174 = vector.broadcast %broadcast_in_dim3A_172 : vector<784x1xf32> to vector<784x512xf32>
    %eq3A_175 = arith.cmpf oeq, %sub3A_169, %eq3A_174 : vector<784x512xf32>
    %jit3A_176 = arith.constant 512 : i32
    %broadcast_in_dim3A_177 = vector.broadcast %jit3A_176 : i32 to vector<784x512xi32>
    %select_n3A_178 = arith.select %eq3A_175, %iota3A_173, %broadcast_in_dim3A_177 : vector<784x512xi1>, vector<784x512xi32>
    %reduce_min3A_179 = arith.constant dense<2147483647> : vector<784xi32>
    %reduce_min3A_180 = vector.multi_reduction <minsi>, %select_n3A_178, %reduce_min3A_179 [1] : vector<784x512xi32> to vector<784xi32>
    %broadcast_in_dim3A_181 = vector.shape_cast %reduce_min3A_180 : vector<784xi32> to vector<784x1xi32>
    %mul3A_182 = arith.mulf %get3A_155, %get3A_155 : vector<784x128xf32>
    %reduce_sum3A_183 = vector.shape_cast %mul3A_182 : vector<784x128xf32> to vector<1x784x128xf32>
    %reduce_sum3A_184 = arith.constant dense<0.000000e+00> : vector<1xf32>
    %reduce_sum3A_185 = vector.multi_reduction <add>, %reduce_sum3A_183, %reduce_sum3A_184 [1, 2] : vector<1x784x128xf32> to vector<1xf32>
    %reduce_sum3A_186 = vector.shape_cast %reduce_sum3A_185 : vector<1xf32> to vector<1x1x1xf32>
    %reduce_sum3A_187 = vector.extract %reduce_sum3A_186[0, 0, 0] : f32 from vector<1x1x1xf32>
    %reduce_sum3A_188 = vector.shape_cast %broadcast_in_dim3A_172 : vector<784x1xf32> to vector<1x784x1xf32>
    %reduce_sum3A_189 = arith.constant dense<0.000000e+00> : vector<1xf32>
    %reduce_sum3A_190 = vector.multi_reduction <add>, %reduce_sum3A_188, %reduce_sum3A_189 [1, 2] : vector<1x784x1xf32> to vector<1xf32>
    %reduce_sum3A_191 = vector.shape_cast %reduce_sum3A_190 : vector<1xf32> to vector<1x1x1xf32>
    %reduce_sum3A_192 = vector.extract %reduce_sum3A_191[0, 0, 0] : f32 from vector<1x1x1xf32>
    %add3A_193 = arith.addf %reduce_sum3A_187, %reduce_sum3A_192 : f32
    %swap3A_194 = arith.constant 0 : index
    %swap3A_195 = arith.constant 0 : index
    %swap3A_196 = vector.load %arg9[%swap3A_194, %swap3A_195] : memref<784x1xi32, #tpu.memory_space<vmem>>, vector<784x1xi32>
    tpu.vector_store %arg9[%swap3A_194, %swap3A_195], %broadcast_in_dim3A_181 {strides = array<i32>} : memref<784x1xi32, #tpu.memory_space<vmem>>, vector<784x1xi32>,
    %get3A_197 = arith.constant 0 : index
    %get3A_198 = arith.constant 0 : index
    %get3A_199 = memref.load %arg10[%get3A_197, %get3A_198] : memref<1x1xf32, #tpu.memory_space<smem>>
    %add3A_200 = arith.addf %get3A_199, %add3A_58 : f32
    %swap3A_201 = arith.constant 0 : index
    %swap3A_202 = arith.constant 0 : index
    %swap3A_203 = memref.load %arg10[%swap3A_201, %swap3A_202] : memref<1x1xf32, #tpu.memory_space<smem>>
    memref.store %add3A_200, %arg10[%swap3A_201, %swap3A_202] : memref<1x1xf32, #tpu.memory_space<smem>>
    %get3A_204 = arith.constant 0 : index
    %get3A_205 = arith.constant 0 : index
    %get3A_206 = memref.load %arg11[%get3A_204, %get3A_205] : memref<1x1xf32, #tpu.memory_space<smem>>
    %add3A_207 = arith.addf %get3A_206, %add3A_193 : f32
    %swap3A_208 = arith.constant 0 : index
    %swap3A_209 = arith.constant 0 : index
    %swap3A_210 = memref.load %arg11[%swap3A_208, %swap3A_209] : memref<1x1xf32, #tpu.memory_space<smem>>
    memref.store %add3A_207, %arg11[%swap3A_208, %swap3A_209] : memref<1x1xf32, #tpu.memory_space<smem>>
    return
  }
  func.func @transform_0(%arg0: i32) -> (i32, i32, i32) {
    %c0_i32 = arith.constant 0 : i32
    %c0_i32_0 = arith.constant 0 : i32
    %c0_i32_1 = arith.constant 0 : i32
    return %c0_i32, %arg0, %c0_i32_0 : i32, i32, i32
  }
  func.func @transform_1(%arg0: i32) -> (i32, i32) {
    %c0_i32 = arith.constant 0 : i32
    %c0_i32_0 = arith.constant 0 : i32
    %c0_i32_1 = arith.constant 0 : i32
    return %c0_i32, %c0_i32_0 : i32, i32
  }
  func.func @transform_2(%arg0: i32) -> (i32, i32) {
    %c0_i32 = arith.constant 0 : i32
    %c0_i32_0 = arith.constant 0 : i32
    %c0_i32_1 = arith.constant 0 : i32
    return %c0_i32, %c0_i32_0 : i32, i32
  }
  func.func @transform_3(%arg0: i32) -> (i32, i32, i32) {
    %c0_i32 = arith.constant 0 : i32
    %c0_i32_0 = arith.constant 0 : i32
    %c0_i32_1 = arith.constant 0 : i32
    %c0_i32_2 = arith.constant 0 : i32
    return %c0_i32, %c0_i32_0, %c0_i32_1 : i32, i32, i32
  }
  func.func @transform_4(%arg0: i32) -> (i32, i32) {
    %c0_i32 = arith.constant 0 : i32
    %c0_i32_0 = arith.constant 0 : i32
    %c0_i32_1 = arith.constant 0 : i32
    return %c0_i32, %c0_i32_0 : i32, i32
  }
  func.func @transform_5(%arg0: i32) -> (i32, i32) {
    %c0_i32 = arith.constant 0 : i32
    %c0_i32_0 = arith.constant 0 : i32
    %c0_i32_1 = arith.constant 0 : i32
    return %c0_i32, %c0_i32_0 : i32, i32
  }
  func.func @transform_6(%arg0: i32) -> (i32, i32) {
    %c0_i32 = arith.constant 0 : i32
    %c0_i32_0 = arith.constant 0 : i32
    %c0_i32_1 = arith.constant 0 : i32
    return %c0_i32, %c0_i32_0 : i32, i32
  }
  func.func @transform_7(%arg0: i32) -> (i32, i32, i32) {
    %c0_i32 = arith.constant 0 : i32
    %c0_i32_0 = arith.constant 0 : i32
    %c0_i32_1 = arith.constant 0 : i32
    return %c0_i32, %arg0, %c0_i32_0 : i32, i32, i32
  }
  func.func @transform_8(%arg0: i32) -> (i32, i32) {
    %c0_i32 = arith.constant 0 : i32
    %c0_i32_0 = arith.constant 0 : i32
    return %arg0, %c0_i32 : i32, i32
  }
  func.func @transform_9(%arg0: i32) -> (i32, i32) {
    %c0_i32 = arith.constant 0 : i32
    %c0_i32_0 = arith.constant 0 : i32
    %c0_i32_1 = arith.constant 0 : i32
    return %c0_i32, %c0_i32_0 : i32, i32
  }
  func.func @transform_10(%arg0: i32) -> (i32, i32) {
    %c0_i32 = arith.constant 0 : i32
    %c0_i32_0 = arith.constant 0 : i32
    %c0_i32_1 = arith.constant 0 : i32
    return %c0_i32, %c0_i32_0 : i32, i32
  }
}

module attributes {stable_mosaic.version = 14 : i64} {
  func.func @_dec_body(%arg0: i32, %arg1: memref<4x784x48xf32, #tpu.memory_space<vmem>>, %arg2: memref<48x128xf32, #tpu.memory_space<vmem>>, %arg3: memref<1x128xf32, #tpu.memory_space<vmem>>, %arg4: memref<4x784x128xf32, #tpu.memory_space<vmem>>, %arg5: memref<784x128xf32, #tpu.memory_space<vmem>>, %arg6: memref<128x512xf32, #tpu.memory_space<vmem>>, %arg7: memref<1x512xf32, #tpu.memory_space<vmem>>, %arg8: memref<128x512xf32, #tpu.memory_space<vmem>>, %arg9: memref<1x512xf32, #tpu.memory_space<vmem>>, %arg10: memref<256x48xf32, #tpu.memory_space<vmem>>, %arg11: memref<1x48xf32, #tpu.memory_space<vmem>>, %arg12: memref<1x1xf32, #tpu.memory_space<smem>>, %arg13: memref<1x1xf32, #tpu.memory_space<smem>>) attributes {dimension_semantics = [#tpu.dimension_semantics<arbitrary>], iteration_bounds = array<i64: 8>, scalar_prefetch = 0 : i64, scratch_operands = 0 : i64, tpu.core_type = #tpu.core_type<tc>, window_params = [{transform_indices = @transform_0, window_bounds = array<i64: 4, 784, 48>}, {pipeline_mode = #tpu.pipeline_mode<synchronous>, transform_indices = @transform_1, window_bounds = array<i64: 48, 128>}, {pipeline_mode = #tpu.pipeline_mode<synchronous>, transform_indices = @transform_2, window_bounds = array<i64: 1, 128>}, {transform_indices = @transform_3, window_bounds = array<i64: 4, 784, 128>}, {transform_indices = @transform_4, window_bounds = array<i64: 784, 128>}, {pipeline_mode = #tpu.pipeline_mode<synchronous>, transform_indices = @transform_5, window_bounds = array<i64: 128, 512>}, {pipeline_mode = #tpu.pipeline_mode<synchronous>, transform_indices = @transform_6, window_bounds = array<i64: 1, 512>}, {pipeline_mode = #tpu.pipeline_mode<synchronous>, transform_indices = @transform_7, window_bounds = array<i64: 128, 512>}, {pipeline_mode = #tpu.pipeline_mode<synchronous>, transform_indices = @transform_8, window_bounds = array<i64: 1, 512>}, {pipeline_mode = #tpu.pipeline_mode<synchronous>, transform_indices = @transform_9, window_bounds = array<i64: 256, 48>}, {pipeline_mode = #tpu.pipeline_mode<synchronous>, transform_indices = @transform_10, window_bounds = array<i64: 1, 48>}, {transform_indices = @transform_11, window_bounds = array<i64: 1, 1>}, {transform_indices = @transform_12, window_bounds = array<i64: 1, 1>}]} {
    %eq3A = arith.constant 0 : i32
    %eq3A_0 = arith.cmpi eq, %arg0, %eq3A : i32
    %convert_element_type3A = arith.extui %eq3A_0 : i1 to i32
    %cond3A = arith.constant 0 : i32
    %cond3A_1 = arith.cmpi ne, %convert_element_type3A, %cond3A : i32
    scf.if %cond3A_1 {
      %swap3A_234 = arith.constant 0.000000e+00 : f32
      %swap3A_235 = arith.constant 0 : index
      %swap3A_236 = arith.constant 0 : index
      %swap3A_237 = memref.load %arg12[%swap3A_235, %swap3A_236] : memref<1x1xf32, #tpu.memory_space<smem>>
      memref.store %swap3A_234, %arg12[%swap3A_235, %swap3A_236] : memref<1x1xf32, #tpu.memory_space<smem>>
      %swap3A_238 = arith.constant 0.000000e+00 : f32
      %swap3A_239 = arith.constant 0 : index
      %swap3A_240 = arith.constant 0 : index
      %swap3A_241 = memref.load %arg13[%swap3A_239, %swap3A_240] : memref<1x1xf32, #tpu.memory_space<smem>>
      memref.store %swap3A_238, %arg13[%swap3A_239, %swap3A_240] : memref<1x1xf32, #tpu.memory_space<smem>>
    } else {
    }
    %get3A = arith.constant 0 : index
    %get3A_2 = arith.constant 0 : index
    %get3A_3 = arith.constant 0 : index
    %get3A_4 = vector.load %arg1[%get3A, %get3A_2, %get3A_3] : memref<4x784x48xf32, #tpu.memory_space<vmem>>, vector<1x784x48xf32>
    %get3A_5 = vector.shape_cast %get3A_4 : vector<1x784x48xf32> to vector<784x48xf32>
    %get3A_6 = arith.constant 1 : index
    %get3A_7 = arith.constant 0 : index
    %get3A_8 = arith.constant 0 : index
    %get3A_9 = vector.load %arg1[%get3A_6, %get3A_7, %get3A_8] : memref<4x784x48xf32, #tpu.memory_space<vmem>>, vector<1x784x48xf32>
    %get3A_10 = vector.shape_cast %get3A_9 : vector<1x784x48xf32> to vector<784x48xf32>
    %get3A_11 = arith.constant 2 : index
    %get3A_12 = arith.constant 0 : index
    %get3A_13 = arith.constant 0 : index
    %get3A_14 = vector.load %arg1[%get3A_11, %get3A_12, %get3A_13] : memref<4x784x48xf32, #tpu.memory_space<vmem>>, vector<1x784x48xf32>
    %get3A_15 = vector.shape_cast %get3A_14 : vector<1x784x48xf32> to vector<784x48xf32>
    %get3A_16 = arith.constant 3 : index
    %get3A_17 = arith.constant 0 : index
    %get3A_18 = arith.constant 0 : index
    %get3A_19 = vector.load %arg1[%get3A_16, %get3A_17, %get3A_18] : memref<4x784x48xf32, #tpu.memory_space<vmem>>, vector<1x784x48xf32>
    %get3A_20 = vector.shape_cast %get3A_19 : vector<1x784x48xf32> to vector<784x48xf32>
    %concatenate3A = tpu.concatenate %get3A_5, %get3A_10, %get3A_15, %get3A_20 in 0 : vector<784x48xf32>, vector<784x48xf32>, vector<784x48xf32>, vector<784x48xf32> -> vector<3136x48xf32>
    %get3A_21 = arith.constant 0 : index
    %get3A_22 = arith.constant 0 : index
    %get3A_23 = vector.load %arg2[%get3A_21, %get3A_22] : memref<48x128xf32, #tpu.memory_space<vmem>>, vector<48x128xf32>
    %dot_general3A = arith.constant dense<0.000000e+00> : vector<3136x128xf32>
    %dot_general3A_24 = tpu.matmul %concatenate3A, %get3A_23, %dot_general3A {dimension_numbers = #tpu.dot_dimension_numbers<[1], [0], [0], [1], [0, 0, 1, 1], [], []>, transpose_lhs_hint = false} : vector<3136x48xf32>, vector<48x128xf32>, vector<3136x128xf32> -> vector<3136x128xf32>
    %get3A_25 = arith.constant 0 : index
    %get3A_26 = arith.constant 0 : index
    %get3A_27 = vector.load %arg3[%get3A_25, %get3A_26] : memref<1x128xf32, #tpu.memory_space<vmem>>, vector<1x128xf32>
    %add3A = vector.broadcast %get3A_27 : vector<1x128xf32> to vector<3136x128xf32>
    %add3A_28 = arith.addf %dot_general3A_24, %add3A : vector<3136x128xf32>
    %get3A_29 = arith.constant 0 : index
    %get3A_30 = arith.constant 0 : index
    %get3A_31 = vector.load %arg5[%get3A_29, %get3A_30] : memref<784x128xf32, #tpu.memory_space<vmem>>, vector<784x128xf32>
    %get3A_32 = arith.constant 0 : index
    %get3A_33 = arith.constant 0 : index
    %get3A_34 = vector.load %arg6[%get3A_32, %get3A_33] : memref<128x512xf32, #tpu.memory_space<vmem>>, vector<128x512xf32>
    %dot_general3A_35 = arith.constant dense<0.000000e+00> : vector<784x512xf32>
    %dot_general3A_36 = tpu.matmul %get3A_31, %get3A_34, %dot_general3A_35 {dimension_numbers = #tpu.dot_dimension_numbers<[1], [0], [0], [1], [0, 0, 1, 1], [], []>, transpose_lhs_hint = false} : vector<784x128xf32>, vector<128x512xf32>, vector<784x512xf32> -> vector<784x512xf32>
    %get3A_37 = arith.constant 0 : index
    %get3A_38 = arith.constant 0 : index
    %get3A_39 = vector.load %arg7[%get3A_37, %get3A_38] : memref<1x512xf32, #tpu.memory_space<vmem>>, vector<1x512xf32>
    %add3A_40 = vector.broadcast %get3A_39 : vector<1x512xf32> to vector<784x512xf32>
    %add3A_41 = arith.addf %dot_general3A_36, %add3A_40 : vector<784x512xf32>
    %get3A_42 = arith.constant 0 : index
    %get3A_43 = arith.constant 0 : index
    %get3A_44 = vector.load %arg8[%get3A_42, %get3A_43] : memref<128x512xf32, #tpu.memory_space<vmem>>, vector<128x512xf32>
    %dot_general3A_45 = arith.constant dense<0.000000e+00> : vector<784x512xf32>
    %dot_general3A_46 = tpu.matmul %get3A_31, %get3A_44, %dot_general3A_45 {dimension_numbers = #tpu.dot_dimension_numbers<[1], [0], [0], [1], [0, 0, 1, 1], [], []>, transpose_lhs_hint = false} : vector<784x128xf32>, vector<128x512xf32>, vector<784x512xf32> -> vector<784x512xf32>
    %get3A_47 = arith.constant 0 : index
    %get3A_48 = arith.constant 0 : index
    %get3A_49 = vector.load %arg9[%get3A_47, %get3A_48] : memref<1x512xf32, #tpu.memory_space<vmem>>, vector<1x512xf32>
    %add3A_50 = vector.broadcast %get3A_49 : vector<1x512xf32> to vector<784x512xf32>
    %add3A_51 = arith.addf %dot_general3A_46, %add3A_50 : vector<784x512xf32>
    %slice3A = vector.extract_strided_slice %add3A_41 {offsets = [0, 0], sizes = [784, 128], strides = [1, 1]} : vector<784x512xf32> to vector<784x128xf32>
    %slice3A_52 = vector.extract_strided_slice %add3A_28 {offsets = [0, 0], sizes = [784, 128], strides = [1, 1]} : vector<3136x128xf32> to vector<784x128xf32>
    %sub3A = arith.subf %slice3A, %slice3A_52 : vector<784x128xf32>
    %mul3A = arith.mulf %sub3A, %sub3A : vector<784x128xf32>
    %reduce_sum3A = vector.shape_cast %mul3A : vector<784x128xf32> to vector<1x784x128xf32>
    %reduce_sum3A_53 = arith.constant dense<0.000000e+00> : vector<1xf32>
    %reduce_sum3A_54 = vector.multi_reduction <add>, %reduce_sum3A, %reduce_sum3A_53 [1, 2] : vector<1x784x128xf32> to vector<1xf32>
    %reduce_sum3A_55 = vector.shape_cast %reduce_sum3A_54 : vector<1xf32> to vector<1x1x1xf32>
    %reduce_sum3A_56 = vector.extract %reduce_sum3A_55[0, 0, 0] : f32 from vector<1x1x1xf32>
    %add3A_57 = arith.constant 0.000000e+00 : f32
    %add3A_58 = arith.addf %add3A_57, %reduce_sum3A_56 : f32
    %slice3A_59 = vector.extract_strided_slice %add3A_51 {offsets = [0, 0], sizes = [784, 128], strides = [1, 1]} : vector<784x512xf32> to vector<784x128xf32>
    %get3A_60 = arith.constant 0 : index
    %get3A_61 = arith.constant 0 : index
    %get3A_62 = arith.constant 0 : index
    %get3A_63 = vector.load %arg4[%get3A_60, %get3A_61, %get3A_62] : memref<4x784x128xf32, #tpu.memory_space<vmem>>, vector<1x784x128xf32>
    %get3A_64 = vector.shape_cast %get3A_63 : vector<1x784x128xf32> to vector<784x128xf32>
    %concatenate3A_65 = tpu.concatenate %slice3A_59, %get3A_64 in 1 : vector<784x128xf32>, vector<784x128xf32> -> vector<784x256xf32>
    %max3A = arith.constant 0.000000e+00 : f32
    %max3A_66 = vector.broadcast %max3A : f32 to vector<784x256xf32>
    %max3A_67 = arith.maximumf %concatenate3A_65, %max3A_66 : vector<784x256xf32>
    %get3A_68 = arith.constant 0 : index
    %get3A_69 = arith.constant 0 : index
    %get3A_70 = vector.load %arg10[%get3A_68, %get3A_69] : memref<256x48xf32, #tpu.memory_space<vmem>>, vector<256x48xf32>
    %dot_general3A_71 = arith.constant dense<0.000000e+00> : vector<784x48xf32>
    %dot_general3A_72 = tpu.matmul %max3A_67, %get3A_70, %dot_general3A_71 {dimension_numbers = #tpu.dot_dimension_numbers<[1], [0], [0], [1], [0, 0, 1, 1], [], []>, transpose_lhs_hint = false} : vector<784x256xf32>, vector<256x48xf32>, vector<784x48xf32> -> vector<784x48xf32>
    %get3A_73 = arith.constant 0 : index
    %get3A_74 = arith.constant 0 : index
    %get3A_75 = vector.load %arg11[%get3A_73, %get3A_74] : memref<1x48xf32, #tpu.memory_space<vmem>>, vector<1x48xf32>
    %add3A_76 = vector.broadcast %get3A_75 : vector<1x48xf32> to vector<784x48xf32>
    %add3A_77 = arith.addf %dot_general3A_72, %add3A_76 : vector<784x48xf32>
    %get3A_78 = arith.constant 0 : index
    %get3A_79 = arith.constant 0 : index
    %get3A_80 = arith.constant 0 : index
    %get3A_81 = vector.load %arg1[%get3A_78, %get3A_79, %get3A_80] : memref<4x784x48xf32, #tpu.memory_space<vmem>>, vector<1x784x48xf32>
    %get3A_82 = vector.shape_cast %get3A_81 : vector<1x784x48xf32> to vector<784x48xf32>
    %sub3A_83 = arith.subf %add3A_77, %get3A_82 : vector<784x48xf32>
    %mul3A_84 = arith.mulf %sub3A_83, %sub3A_83 : vector<784x48xf32>
    %reduce_sum3A_85 = vector.shape_cast %mul3A_84 : vector<784x48xf32> to vector<1x784x48xf32>
    %reduce_sum3A_86 = arith.constant dense<0.000000e+00> : vector<1xf32>
    %reduce_sum3A_87 = vector.multi_reduction <add>, %reduce_sum3A_85, %reduce_sum3A_86 [1, 2] : vector<1x784x48xf32> to vector<1xf32>
    %reduce_sum3A_88 = vector.shape_cast %reduce_sum3A_87 : vector<1xf32> to vector<1x1x1xf32>
    %reduce_sum3A_89 = vector.extract %reduce_sum3A_88[0, 0, 0] : f32 from vector<1x1x1xf32>
    %add3A_90 = arith.constant 0.000000e+00 : f32
    %add3A_91 = arith.addf %add3A_90, %reduce_sum3A_89 : f32
    %slice3A_92 = vector.extract_strided_slice %add3A_41 {offsets = [0, 128], sizes = [784, 128], strides = [1, 1]} : vector<784x512xf32> to vector<784x128xf32>
    %slice3A_93 = vector.extract_strided_slice %add3A_28 {offsets = [784, 0], sizes = [784, 128], strides = [1, 1]} : vector<3136x128xf32> to vector<784x128xf32>
    %sub3A_94 = arith.subf %slice3A_92, %slice3A_93 : vector<784x128xf32>
    %mul3A_95 = arith.mulf %sub3A_94, %sub3A_94 : vector<784x128xf32>
    %reduce_sum3A_96 = vector.shape_cast %mul3A_95 : vector<784x128xf32> to vector<1x784x128xf32>
    %reduce_sum3A_97 = arith.constant dense<0.000000e+00> : vector<1xf32>
    %reduce_sum3A_98 = vector.multi_reduction <add>, %reduce_sum3A_96, %reduce_sum3A_97 [1, 2] : vector<1x784x128xf32> to vector<1xf32>
    %reduce_sum3A_99 = vector.shape_cast %reduce_sum3A_98 : vector<1xf32> to vector<1x1x1xf32>
    %reduce_sum3A_100 = vector.extract %reduce_sum3A_99[0, 0, 0] : f32 from vector<1x1x1xf32>
    %add3A_101 = arith.addf %add3A_58, %reduce_sum3A_100 : f32
    %slice3A_102 = vector.extract_strided_slice %add3A_51 {offsets = [0, 128], sizes = [784, 128], strides = [1, 1]} : vector<784x512xf32> to vector<784x128xf32>
    %get3A_103 = arith.constant 1 : index
    %get3A_104 = arith.constant 0 : index
    %get3A_105 = arith.constant 0 : index
    %get3A_106 = vector.load %arg4[%get3A_103, %get3A_104, %get3A_105] : memref<4x784x128xf32, #tpu.memory_space<vmem>>, vector<1x784x128xf32>
    %get3A_107 = vector.shape_cast %get3A_106 : vector<1x784x128xf32> to vector<784x128xf32>
    %concatenate3A_108 = tpu.concatenate %slice3A_102, %get3A_107 in 1 : vector<784x128xf32>, vector<784x128xf32> -> vector<784x256xf32>
    %max3A_109 = arith.constant 0.000000e+00 : f32
    %max3A_110 = vector.broadcast %max3A_109 : f32 to vector<784x256xf32>
    %max3A_111 = arith.maximumf %concatenate3A_108, %max3A_110 : vector<784x256xf32>
    %get3A_112 = arith.constant 0 : index
    %get3A_113 = arith.constant 0 : index
    %get3A_114 = vector.load %arg10[%get3A_112, %get3A_113] : memref<256x48xf32, #tpu.memory_space<vmem>>, vector<256x48xf32>
    %dot_general3A_115 = arith.constant dense<0.000000e+00> : vector<784x48xf32>
    %dot_general3A_116 = tpu.matmul %max3A_111, %get3A_114, %dot_general3A_115 {dimension_numbers = #tpu.dot_dimension_numbers<[1], [0], [0], [1], [0, 0, 1, 1], [], []>, transpose_lhs_hint = false} : vector<784x256xf32>, vector<256x48xf32>, vector<784x48xf32> -> vector<784x48xf32>
    %get3A_117 = arith.constant 0 : index
    %get3A_118 = arith.constant 0 : index
    %get3A_119 = vector.load %arg11[%get3A_117, %get3A_118] : memref<1x48xf32, #tpu.memory_space<vmem>>, vector<1x48xf32>
    %add3A_120 = vector.broadcast %get3A_119 : vector<1x48xf32> to vector<784x48xf32>
    %add3A_121 = arith.addf %dot_general3A_116, %add3A_120 : vector<784x48xf32>
    %get3A_122 = arith.constant 1 : index
    %get3A_123 = arith.constant 0 : index
    %get3A_124 = arith.constant 0 : index
    %get3A_125 = vector.load %arg1[%get3A_122, %get3A_123, %get3A_124] : memref<4x784x48xf32, #tpu.memory_space<vmem>>, vector<1x784x48xf32>
    %get3A_126 = vector.shape_cast %get3A_125 : vector<1x784x48xf32> to vector<784x48xf32>
    %sub3A_127 = arith.subf %add3A_121, %get3A_126 : vector<784x48xf32>
    %mul3A_128 = arith.mulf %sub3A_127, %sub3A_127 : vector<784x48xf32>
    %reduce_sum3A_129 = vector.shape_cast %mul3A_128 : vector<784x48xf32> to vector<1x784x48xf32>
    %reduce_sum3A_130 = arith.constant dense<0.000000e+00> : vector<1xf32>
    %reduce_sum3A_131 = vector.multi_reduction <add>, %reduce_sum3A_129, %reduce_sum3A_130 [1, 2] : vector<1x784x48xf32> to vector<1xf32>
    %reduce_sum3A_132 = vector.shape_cast %reduce_sum3A_131 : vector<1xf32> to vector<1x1x1xf32>
    %reduce_sum3A_133 = vector.extract %reduce_sum3A_132[0, 0, 0] : f32 from vector<1x1x1xf32>
    %add3A_134 = arith.addf %add3A_91, %reduce_sum3A_133 : f32
    %slice3A_135 = vector.extract_strided_slice %add3A_41 {offsets = [0, 256], sizes = [784, 128], strides = [1, 1]} : vector<784x512xf32> to vector<784x128xf32>
    %slice3A_136 = vector.extract_strided_slice %add3A_28 {offsets = [1568, 0], sizes = [784, 128], strides = [1, 1]} : vector<3136x128xf32> to vector<784x128xf32>
    %sub3A_137 = arith.subf %slice3A_135, %slice3A_136 : vector<784x128xf32>
    %mul3A_138 = arith.mulf %sub3A_137, %sub3A_137 : vector<784x128xf32>
    %reduce_sum3A_139 = vector.shape_cast %mul3A_138 : vector<784x128xf32> to vector<1x784x128xf32>
    %reduce_sum3A_140 = arith.constant dense<0.000000e+00> : vector<1xf32>
    %reduce_sum3A_141 = vector.multi_reduction <add>, %reduce_sum3A_139, %reduce_sum3A_140 [1, 2] : vector<1x784x128xf32> to vector<1xf32>
    %reduce_sum3A_142 = vector.shape_cast %reduce_sum3A_141 : vector<1xf32> to vector<1x1x1xf32>
    %reduce_sum3A_143 = vector.extract %reduce_sum3A_142[0, 0, 0] : f32 from vector<1x1x1xf32>
    %add3A_144 = arith.addf %add3A_101, %reduce_sum3A_143 : f32
    %slice3A_145 = vector.extract_strided_slice %add3A_51 {offsets = [0, 256], sizes = [784, 128], strides = [1, 1]} : vector<784x512xf32> to vector<784x128xf32>
    %get3A_146 = arith.constant 2 : index
    %get3A_147 = arith.constant 0 : index
    %get3A_148 = arith.constant 0 : index
    %get3A_149 = vector.load %arg4[%get3A_146, %get3A_147, %get3A_148] : memref<4x784x128xf32, #tpu.memory_space<vmem>>, vector<1x784x128xf32>
    %get3A_150 = vector.shape_cast %get3A_149 : vector<1x784x128xf32> to vector<784x128xf32>
    %concatenate3A_151 = tpu.concatenate %slice3A_145, %get3A_150 in 1 : vector<784x128xf32>, vector<784x128xf32> -> vector<784x256xf32>
    %max3A_152 = arith.constant 0.000000e+00 : f32
    %max3A_153 = vector.broadcast %max3A_152 : f32 to vector<784x256xf32>
    %max3A_154 = arith.maximumf %concatenate3A_151, %max3A_153 : vector<784x256xf32>
    %get3A_155 = arith.constant 0 : index
    %get3A_156 = arith.constant 0 : index
    %get3A_157 = vector.load %arg10[%get3A_155, %get3A_156] : memref<256x48xf32, #tpu.memory_space<vmem>>, vector<256x48xf32>
    %dot_general3A_158 = arith.constant dense<0.000000e+00> : vector<784x48xf32>
    %dot_general3A_159 = tpu.matmul %max3A_154, %get3A_157, %dot_general3A_158 {dimension_numbers = #tpu.dot_dimension_numbers<[1], [0], [0], [1], [0, 0, 1, 1], [], []>, transpose_lhs_hint = false} : vector<784x256xf32>, vector<256x48xf32>, vector<784x48xf32> -> vector<784x48xf32>
    %get3A_160 = arith.constant 0 : index
    %get3A_161 = arith.constant 0 : index
    %get3A_162 = vector.load %arg11[%get3A_160, %get3A_161] : memref<1x48xf32, #tpu.memory_space<vmem>>, vector<1x48xf32>
    %add3A_163 = vector.broadcast %get3A_162 : vector<1x48xf32> to vector<784x48xf32>
    %add3A_164 = arith.addf %dot_general3A_159, %add3A_163 : vector<784x48xf32>
    %get3A_165 = arith.constant 2 : index
    %get3A_166 = arith.constant 0 : index
    %get3A_167 = arith.constant 0 : index
    %get3A_168 = vector.load %arg1[%get3A_165, %get3A_166, %get3A_167] : memref<4x784x48xf32, #tpu.memory_space<vmem>>, vector<1x784x48xf32>
    %get3A_169 = vector.shape_cast %get3A_168 : vector<1x784x48xf32> to vector<784x48xf32>
    %sub3A_170 = arith.subf %add3A_164, %get3A_169 : vector<784x48xf32>
    %mul3A_171 = arith.mulf %sub3A_170, %sub3A_170 : vector<784x48xf32>
    %reduce_sum3A_172 = vector.shape_cast %mul3A_171 : vector<784x48xf32> to vector<1x784x48xf32>
    %reduce_sum3A_173 = arith.constant dense<0.000000e+00> : vector<1xf32>
    %reduce_sum3A_174 = vector.multi_reduction <add>, %reduce_sum3A_172, %reduce_sum3A_173 [1, 2] : vector<1x784x48xf32> to vector<1xf32>
    %reduce_sum3A_175 = vector.shape_cast %reduce_sum3A_174 : vector<1xf32> to vector<1x1x1xf32>
    %reduce_sum3A_176 = vector.extract %reduce_sum3A_175[0, 0, 0] : f32 from vector<1x1x1xf32>
    %add3A_177 = arith.addf %add3A_134, %reduce_sum3A_176 : f32
    %slice3A_178 = vector.extract_strided_slice %add3A_41 {offsets = [0, 384], sizes = [784, 128], strides = [1, 1]} : vector<784x512xf32> to vector<784x128xf32>
    %slice3A_179 = vector.extract_strided_slice %add3A_28 {offsets = [2352, 0], sizes = [784, 128], strides = [1, 1]} : vector<3136x128xf32> to vector<784x128xf32>
    %sub3A_180 = arith.subf %slice3A_178, %slice3A_179 : vector<784x128xf32>
    %mul3A_181 = arith.mulf %sub3A_180, %sub3A_180 : vector<784x128xf32>
    %reduce_sum3A_182 = vector.shape_cast %mul3A_181 : vector<784x128xf32> to vector<1x784x128xf32>
    %reduce_sum3A_183 = arith.constant dense<0.000000e+00> : vector<1xf32>
    %reduce_sum3A_184 = vector.multi_reduction <add>, %reduce_sum3A_182, %reduce_sum3A_183 [1, 2] : vector<1x784x128xf32> to vector<1xf32>
    %reduce_sum3A_185 = vector.shape_cast %reduce_sum3A_184 : vector<1xf32> to vector<1x1x1xf32>
    %reduce_sum3A_186 = vector.extract %reduce_sum3A_185[0, 0, 0] : f32 from vector<1x1x1xf32>
    %add3A_187 = arith.addf %add3A_144, %reduce_sum3A_186 : f32
    %slice3A_188 = vector.extract_strided_slice %add3A_51 {offsets = [0, 384], sizes = [784, 128], strides = [1, 1]} : vector<784x512xf32> to vector<784x128xf32>
    %get3A_189 = arith.constant 3 : index
    %get3A_190 = arith.constant 0 : index
    %get3A_191 = arith.constant 0 : index
    %get3A_192 = vector.load %arg4[%get3A_189, %get3A_190, %get3A_191] : memref<4x784x128xf32, #tpu.memory_space<vmem>>, vector<1x784x128xf32>
    %get3A_193 = vector.shape_cast %get3A_192 : vector<1x784x128xf32> to vector<784x128xf32>
    %concatenate3A_194 = tpu.concatenate %slice3A_188, %get3A_193 in 1 : vector<784x128xf32>, vector<784x128xf32> -> vector<784x256xf32>
    %max3A_195 = arith.constant 0.000000e+00 : f32
    %max3A_196 = vector.broadcast %max3A_195 : f32 to vector<784x256xf32>
    %max3A_197 = arith.maximumf %concatenate3A_194, %max3A_196 : vector<784x256xf32>
    %get3A_198 = arith.constant 0 : index
    %get3A_199 = arith.constant 0 : index
    %get3A_200 = vector.load %arg10[%get3A_198, %get3A_199] : memref<256x48xf32, #tpu.memory_space<vmem>>, vector<256x48xf32>
    %dot_general3A_201 = arith.constant dense<0.000000e+00> : vector<784x48xf32>
    %dot_general3A_202 = tpu.matmul %max3A_197, %get3A_200, %dot_general3A_201 {dimension_numbers = #tpu.dot_dimension_numbers<[1], [0], [0], [1], [0, 0, 1, 1], [], []>, transpose_lhs_hint = false} : vector<784x256xf32>, vector<256x48xf32>, vector<784x48xf32> -> vector<784x48xf32>
    %get3A_203 = arith.constant 0 : index
    %get3A_204 = arith.constant 0 : index
    %get3A_205 = vector.load %arg11[%get3A_203, %get3A_204] : memref<1x48xf32, #tpu.memory_space<vmem>>, vector<1x48xf32>
    %add3A_206 = vector.broadcast %get3A_205 : vector<1x48xf32> to vector<784x48xf32>
    %add3A_207 = arith.addf %dot_general3A_202, %add3A_206 : vector<784x48xf32>
    %get3A_208 = arith.constant 3 : index
    %get3A_209 = arith.constant 0 : index
    %get3A_210 = arith.constant 0 : index
    %get3A_211 = vector.load %arg1[%get3A_208, %get3A_209, %get3A_210] : memref<4x784x48xf32, #tpu.memory_space<vmem>>, vector<1x784x48xf32>
    %get3A_212 = vector.shape_cast %get3A_211 : vector<1x784x48xf32> to vector<784x48xf32>
    %sub3A_213 = arith.subf %add3A_207, %get3A_212 : vector<784x48xf32>
    %mul3A_214 = arith.mulf %sub3A_213, %sub3A_213 : vector<784x48xf32>
    %reduce_sum3A_215 = vector.shape_cast %mul3A_214 : vector<784x48xf32> to vector<1x784x48xf32>
    %reduce_sum3A_216 = arith.constant dense<0.000000e+00> : vector<1xf32>
    %reduce_sum3A_217 = vector.multi_reduction <add>, %reduce_sum3A_215, %reduce_sum3A_216 [1, 2] : vector<1x784x48xf32> to vector<1xf32>
    %reduce_sum3A_218 = vector.shape_cast %reduce_sum3A_217 : vector<1xf32> to vector<1x1x1xf32>
    %reduce_sum3A_219 = vector.extract %reduce_sum3A_218[0, 0, 0] : f32 from vector<1x1x1xf32>
    %add3A_220 = arith.addf %add3A_177, %reduce_sum3A_219 : f32
    %get3A_221 = arith.constant 0 : index
    %get3A_222 = arith.constant 0 : index
    %get3A_223 = memref.load %arg12[%get3A_221, %get3A_222] : memref<1x1xf32, #tpu.memory_space<smem>>
    %add3A_224 = arith.addf %get3A_223, %add3A_187 : f32
    %swap3A = arith.constant 0 : index
    %swap3A_225 = arith.constant 0 : index
    %swap3A_226 = memref.load %arg12[%swap3A, %swap3A_225] : memref<1x1xf32, #tpu.memory_space<smem>>
    memref.store %add3A_224, %arg12[%swap3A, %swap3A_225] : memref<1x1xf32, #tpu.memory_space<smem>>
    %get3A_227 = arith.constant 0 : index
    %get3A_228 = arith.constant 0 : index
    %get3A_229 = memref.load %arg13[%get3A_227, %get3A_228] : memref<1x1xf32, #tpu.memory_space<smem>>
    %add3A_230 = arith.addf %get3A_229, %add3A_220 : f32
    %swap3A_231 = arith.constant 0 : index
    %swap3A_232 = arith.constant 0 : index
    %swap3A_233 = memref.load %arg13[%swap3A_231, %swap3A_232] : memref<1x1xf32, #tpu.memory_space<smem>>
    memref.store %add3A_230, %arg13[%swap3A_231, %swap3A_232] : memref<1x1xf32, #tpu.memory_space<smem>>
    return
  }
  func.func @transform_0(%arg0: i32) -> (i32, i32, i32) {
    %c0_i32 = arith.constant 0 : i32
    %c0_i32_0 = arith.constant 0 : i32
    %c0_i32_1 = arith.constant 0 : i32
    return %c0_i32, %arg0, %c0_i32_0 : i32, i32, i32
  }
  func.func @transform_1(%arg0: i32) -> (i32, i32) {
    %c0_i32 = arith.constant 0 : i32
    %c0_i32_0 = arith.constant 0 : i32
    %c0_i32_1 = arith.constant 0 : i32
    return %c0_i32, %c0_i32_0 : i32, i32
  }
  func.func @transform_2(%arg0: i32) -> (i32, i32) {
    %c0_i32 = arith.constant 0 : i32
    %c0_i32_0 = arith.constant 0 : i32
    %c0_i32_1 = arith.constant 0 : i32
    return %c0_i32, %c0_i32_0 : i32, i32
  }
  func.func @transform_3(%arg0: i32) -> (i32, i32, i32) {
    %c0_i32 = arith.constant 0 : i32
    %c0_i32_0 = arith.constant 0 : i32
    %c0_i32_1 = arith.constant 0 : i32
    return %c0_i32, %arg0, %c0_i32_0 : i32, i32, i32
  }
  func.func @transform_4(%arg0: i32) -> (i32, i32) {
    %c0_i32 = arith.constant 0 : i32
    %c0_i32_0 = arith.constant 0 : i32
    return %arg0, %c0_i32 : i32, i32
  }
  func.func @transform_5(%arg0: i32) -> (i32, i32) {
    %c0_i32 = arith.constant 0 : i32
    %c0_i32_0 = arith.constant 0 : i32
    %c0_i32_1 = arith.constant 0 : i32
    return %c0_i32, %c0_i32_0 : i32, i32
  }
  func.func @transform_6(%arg0: i32) -> (i32, i32) {
    %c0_i32 = arith.constant 0 : i32
    %c0_i32_0 = arith.constant 0 : i32
    %c0_i32_1 = arith.constant 0 : i32
    return %c0_i32, %c0_i32_0 : i32, i32
  }
  func.func @transform_7(%arg0: i32) -> (i32, i32) {
    %c0_i32 = arith.constant 0 : i32
    %c0_i32_0 = arith.constant 0 : i32
    %c0_i32_1 = arith.constant 0 : i32
    return %c0_i32, %c0_i32_0 : i32, i32
  }
  func.func @transform_8(%arg0: i32) -> (i32, i32) {
    %c0_i32 = arith.constant 0 : i32
    %c0_i32_0 = arith.constant 0 : i32
    %c0_i32_1 = arith.constant 0 : i32
    return %c0_i32, %c0_i32_0 : i32, i32
  }
  func.func @transform_9(%arg0: i32) -> (i32, i32) {
    %c0_i32 = arith.constant 0 : i32
    %c0_i32_0 = arith.constant 0 : i32
    %c0_i32_1 = arith.constant 0 : i32
    return %c0_i32, %c0_i32_0 : i32, i32
  }
  func.func @transform_10(%arg0: i32) -> (i32, i32) {
    %c0_i32 = arith.constant 0 : i32
    %c0_i32_0 = arith.constant 0 : i32
    %c0_i32_1 = arith.constant 0 : i32
    return %c0_i32, %c0_i32_0 : i32, i32
  }
  func.func @transform_11(%arg0: i32) -> (i32, i32) {
    %c0_i32 = arith.constant 0 : i32
    %c0_i32_0 = arith.constant 0 : i32
    %c0_i32_1 = arith.constant 0 : i32
    return %c0_i32, %c0_i32_0 : i32, i32
  }
  func.func @transform_12(%arg0: i32) -> (i32, i32) {
    %c0_i32 = arith.constant 0 : i32
    %c0_i32_0 = arith.constant 0 : i32
    %c0_i32_1 = arith.constant 0 : i32
    return %c0_i32, %c0_i32_0 : i32, i32
  }
}

</mosaic_0001>

<sc_bundles>
// kernel: kernel.6.cloned.1.call-start
scs
__scs_entry_jumppad:
0x0: {  	(pc) =	sbr.rel $0x88, $3  }
0x1: {  	(tag) =	ssettag $0x0;
	lr =	simm.s32 $0x1  }
0x2: {  	[smem:$0x3F93] =	sst lr;
	_ =	strace $0xD0000000  }
0x3: {  	_ = 	snop  }
0x4: {  	_ = 	snop  }
0x5: {  	_ = 	snop  }
0x6: {  	_ = 	snop  }
0x7: {  	_ = 	snop  }
__scs_overlays_trampoline_lowered:
0x8: {  	[smem:$0x3FA2] =	sst s0  }
0x9: {  	[smem:$0x3FA3] =	sst s1  }
0xa: {  	[smem:$0x3FA4] =	sst s2  }
0xb: {  	[smem:$0x3FA5] =	sst s3  }
0xc: {  	[smem:$0x3FA6] =	sst s4  }
0xd: {  	[smem:$0x3FA7] =	sst s5  }
0xe: {  	[smem:$0x3FA8] =	sst s6  }
0xf: {  	[smem:$0x3FA9] =	sst s7  }
0x10: {  	[smem:$0x3FAA] =	sst s8  }
0x11: {  	[smem:$0x3FAB] =	sst s9;
	s0 =	simm.s32 @!p0 $0x0  }
0x12: {  	s1 =	sld [smem:$0x3F91];
	s0 =	simm.s32 @p0 $0x1  }
0x13: {  	[smem:$0x3FAC] =	sst s0;
	s0 =	simm.s32 @!p1 $0x0  }
0x14: {  	s2 =	sld [smem:$0x3F90];
	s0 =	simm.s32 @p1 $0x1  }
0x15: {  	[smem:$0x3FAD] =	sst s0;
	s0 =	simm.s32 @!p2 $0x0  }
0x16: {  	s3 =	sld [smem:$0x3FDB];
	s0 =	simm.s32 @p2 $0x1  }
0x17: {  	s4 =	simm.s32 $0x1BF5;
	[smem:$0x3FAF] =	sst s0  }
0x18: {  	s0 =	sld [smem:$0x3F92];
	_ =	swait.ge [sflag:s4], $0x0  }
0x19: {  	s7 =	sld [smem:$0x3F93]  }
0x1a: {  	s8 =	sadd.s32 $0xFFFFE003, lr  }
0x1b: {  	s9 =	sadd.s32 $0xFFFFFEF7, lr;
	s5 =	simm.s32 $0xFFFFFFFF;
	p2 =	slt.u32 s8, $0xFFFFF086  }
0x1c: {  	p1 =	slt.u32 s9, $0xF7A;
	s5 =	simm.s32 @!p2 $0x0  }
0x1d: {  	s5 =	simm.s32 @p1 $0x1;
	p0 =	seq.s32 s7, s2  }
0x1e: {  	s7 =	smul.u32 @!p0 $0xF7A, s2;
	p2 =	seq.s32 @!p0 s5, $0x0  }
0x1f: {  	s9 =	smul.u32 $0xF7A, s1;
	s8 =	simm.s32 @!p0 $0x1BF5;
	p2 =	por !p2, p0  }
0x20: {  	[sflag:s8] =	ssyncset.s32 @!p0 $0xFFFFF086;
	s6 =	sadd.s32 @!p0 s3, s7;
	s7 =	simm.s32 @!p0 $0x108  }
0x21: {  	s3 =	sadd.s32 s3, s9;
	s6 =	sadd.s32 @!p0 $0x88, s6;
	s7 =	simm.s32 @p2 $0x1082  }
0x22: {  	[simem:s7], [sflag:s8] =	dma.local @!p0 [hbm:s6], $0xF7A  }
0x23: {  	s9 =	sor.u32 $0xD0000000, s2;
	s6 =	simm.s32 $0x108;
	_ =	swait.ge @!p0 [sflag:s8], $0x0  }
0x24: {  	s3 =	sadd.s32 $0x88, s3;
	s6 =	simm.s32 @!p1 $0x1082;
	[sflag:s4] =	ssyncset.s32 $0xFFFFF086  }
0x25: {  	[simem:s6], [sflag:s4] =	dma.local [hbm:s3], $0xF7A  }
0x26: {  	[smem:$0x3F93] =	sst s1;
	(tag) =	ssettag s2;
	_ =	strace s9  }
0x27: {  	s1 =	sld [smem:$0x3FA3]  }
0x28: {  	s2 =	sld [smem:$0x3FA4]  }
0x29: {  	s4 =	sld [smem:$0x3FA6]  }
0x2a: {  	p0 =	seq.s32 s5, $0x0;
	s5 =	sld [smem:$0x3FA7]  }
0x2b: {  	s6 =	sld [smem:$0x3FA8]  }
0x2c: {  	s7 =	sld [smem:$0x3FA9]  }
0x2d: {  	s3 =	simm.s32 $0x108;
	s8 =	sld [smem:$0x3FAA]  }
0x2e: {  	s3 =	simm.s32 @!p0 $0x1082;
	s9 =	sld [smem:$0x3FAB]  }
0x2f: {  	lr =	sadd.s32 s0, s3;
	s0 =	sld [smem:$0x3FA2]  }
0x30: {  	s3 =	sld [smem:$0x3FA5]  }
0x31: {  	[smem:$0x3FAE] =	sst s10  }
0x32: {  	s10 =	sld [smem:$0x3FAC];
	_ =	sdelay $0x3  }
0x33: {  	p0 =	seq.s32 s10, $0x1;
	s10 =	sld [smem:$0x3FAE];
	_ =	sdelay $0x3  }
0x34: {  	[smem:$0x3FAE] =	sst s10  }
0x35: {  	s10 =	sld [smem:$0x3FAD];
	_ =	sdelay $0x3  }
0x36: {  	p1 =	seq.s32 s10, $0x1;
	s10 =	sld [smem:$0x3FAE];
	_ =	sdelay $0x3  }
0x37: {  	[smem:$0x3FAE] =	sst s10  }
0x38: {  	s10 =	sld [smem:$0x3FAF]  }
0x39: {  	_ = 	snop;
	(pc) =	sbr.ind lr, $3  }
0x3a: {  	_ = 	snop  }
0x3b: {  	_ = 	snop  }
0x3c: {  	p2 =	seq.s32 s10, $0x1;
	s10 =	sld [smem:$0x3FAE]  }
0x3d: {  	_ =	shalt  }
0x3e: {  	_ =	shalt  }
0x3f: {  	_ =	shalt  }
0x40: {  	_ =	shalt  }
0x41: {  	_ =	shalt  }
0x42: {  	_ =	shalt  }
0x43: {  	_ =	shalt  }
0x44: {  	_ =	shalt  }
0x45: {  	_ =	shalt  }
0x46: {  	_ =	shalt  }
0x47: {  	_ =	shalt  }
0x48: {  	_ =	shalt  }
0x49: {  	_ =	shalt  }
0x4a: {  	_ =	shalt  }
0x4b: {  	_ =	shalt  }
0x4c: {  	_ =	shalt  }
0x4d: {  	_ =	shalt  }
0x4e: {  	_ =	shalt  }
0x4f: {  	_ =	shalt  }
0x50: {  	_ =	shalt  }
0x51: {  	_ =	shalt  }
0x52: {  	_ =	shalt  }
0x53: {  	_ =	shalt  }
0x54: {  	_ =	shalt  }
0x55: {  	_ =	shalt  }
0x56: {  	_ =	shalt  }
0x57: {  	_ =	shalt  }
0x58: {  	_ =	shalt  }
0x59: {  	_ =	shalt  }
0x5a: {  	_ =	shalt  }
0x5b: {  	_ =	shalt  }
0x5c: {  	_ =	shalt  }
0x5d: {  	_ =	shalt  }
0x5e: {  	_ =	shalt  }
0x5f: {  	_ =	shalt  }
0x60: {  	_ =	shalt  }
0x61: {  	_ =	shalt  }
0x62: {  	_ =	shalt  }
0x63: {  	_ =	shalt  }
0x64: {  	_ =	shalt  }
0x65: {  	_ =	shalt  }
0x66: {  	_ =	shalt  }
0x67: {  	_ =	shalt  }
0x68: {  	_ =	shalt  }
0x69: {  	_ =	shalt  }
0x6a: {  	_ =	shalt  }
0x6b: {  	_ =	shalt  }
0x6c: {  	_ =	shalt  }
0x6d: {  	_ =	shalt  }
0x6e: {  	_ =	shalt  }
0x6f: {  	_ =	shalt  }
0x70: {  	_ =	shalt  }
0x71: {  	_ =	shalt  }
0x72: {  	_ =	shalt  }
0x73: {  	_ =	shalt  }
0x74: {  	_ =	shalt  }
0x75: {  	_ =	shalt  }
0x76: {  	_ =	shalt  }
0x77: {  	_ =	shalt  }
0x78: {  	_ =	shalt  }
0x79: {  	_ =	shalt  }
0x7a: {  	_ =	shalt  }
0x7b: {  	_ =	shalt  }
0x7c: {  	_ =	shalt  }
0x7d: {  	_ =	shalt  }
0x7e: {  	_ =	shalt  }
0x7f: {  	_ =	shalt  }
0x80: {  	_ =	shalt  }
0x81: {  	_ =	shalt  }
0x82: {  	_ =	shalt  }
0x83: {  	_ =	shalt  }
0x84: {  	_ =	shalt  }
0x85: {  	_ =	shalt  }
0x86: {  	_ =	shalt  }
0x87: {  	_ =	shalt  }
.Lfunc_end0:
.L_simem_size_0:
called_computation_lowered:
.L_overlay_start_0:
0x88: {  	s2 =	sld [smem:$0x3FD9]  }
0x89: {  	s3 =	sld [smem:$0x3FFE];
	_ =	sdelay $0x1  }
0x8a: {  	s1 =	srdreg.scid  }
0x8b: {  	s0 =	sand.u32 $0x1, s1  }
0x8c: {  	s17 =	sshll.u32 s0, $0xA;
	s2 =	sadd.s32 s3, s2  }
0x8d: {  	s2 =	sadd.s32 s2, s17  }
0x8e: {  	[smem:$0x3FBA] =	sst s2  }
0x8f: {  	_ = 	snop  }
0x90: {  	s2 =	sld [smem:$0x3FC4];
	(tm) =	ssettm $0x1  }
0x91: {  	s18 =	sld [smem:$0x3FFB];
	_ =	sdelay $0x3  }
0x92: {  	_ =	strace s18  }
0x93: {  	s3 =	sld [smem:$0x3FFC];
	_ =	sdelay $0x3  }
0x94: {  	_ =	strace s3  }
0x95: {  	s3 =	sld [smem:$0x3FFD];
	_ =	sdelay $0x3  }
0x96: {  	_ =	strace s3  }
0x97: {  	_ =	strace $0x8FFFFFFF  }
0x98: {  	s19 =	sld [smem:$0x3FDB];
	_ =	sdelay $0x1  }
0x99: {  	s4 =	simm.s32 $_scs_section_size  }
0x9a: {  	s5 =	simm.s32 $_size__tile_overlayer_lowered;
	s6 =	simm.s32 $_tile_overlayer_lowered  }
0x9b: {  	s22 =	simm.s32 $0x1BFF;
	s21 =	sshll.u32 s6, $0x1;
	s3 =	sadd.s32 s4, s19  }
0x9c: {  	s7 =	simm.s32 $0x0;
	s20 =	sshll.u32 s5, $0x1;
	s5 =	sadd.s32 s21, s3  }
0x9d: {  	[timem:s7], [sflag:s22] =	dma.local [hbm:s5], s20  }
0x9e: {  	_ =	swait.ge [sflag:s22], s20  }
0x9f: {  	s4 =	ssub.s32 $0x0, s20;
	[sflag:s22] =	ssyncset.done $0x0  }
0xa0: {  	[sflag:s22] =	ssyncadd.s32 s4;
	_ =	sdelay $0x1  }
0xa1: {  	s23 =	simm.s32 $0x1B8B  }
0xa2: {  	_ =	swait.ge [sflag:s23], $0x1  }
0xa3: {  	[sflag:s23] =	ssyncset.done $0x0  }
0xa4: {  	s25 =	simm.s32 $0x1B8E;
	s24 =	sld [smem:$0x3FFE];
	[sflag:s23] =	ssyncadd.s32 $0xFFFFFFFF  }
0xa5: {  	s26 =	simm.s32 $execute0_lowered;
	[smem:$0x3FD2] =	sst s25  }
0xa6: {  	s5 =	sshll.u32 s26, $0x1;
	_ =	strace $0x80000046;
	[dreg:$0x1] =	wrdreg $0xFFFFFFFF  }
0xa7: {  	s28 =	simm.s32 $_size_execute0_lowered;
	s3 =	sadd.s32 s3, s5;
	[dreg:$0x0] =	wrdreg $0x0  }
0xa8: {  	s5 =	sshll.u32 s28, $0x1;
	[dreg:$0x2] =	wrdreg s3  }
0xa9: {  	[dreg:$0x3] =	wrdreg s5  }
0xaa: {  	[dreg:$0x4] =	wrdreg $0xC0  }
0xab: {  	_ =	task [dreg:s7], $0x5FFFF  }
0xac: {  	[dreg:$0x1] =	wrdreg $0xFFFFFFFF  }
0xad: {  	[dreg:$0x0] =	wrdreg $0x60  }
0xae: {  	[dreg:$0x2] =	wrdreg s2  }
0xaf: {  	[dreg:$0x3] =	wrdreg s24  }
0xb0: {  	[dreg:$0x4] =	wrdreg $0x9  }
0xb1: {  	_ =	task.clear_ibuf [dreg:s7], $0x5FFFF;
	_ =	strace $0x90000046  }
0xb2: {  	s29 =	simm.s32 $0x9;
	_ =	strace $0x80000048  }
0xb3: {  	_ =	swait.ge [sflag:s29], $0x1  }
0xb4: {  	[sflag:s29] =	ssyncadd.s32 $0xFFFFFFFF  }
0xb5: {  	_ =	strace $0x90000048  }
0xb6: {  	_ =	sfence  }
0xb7: {  	s30 =	sld [smem:$0x0];
	_ =	sdelay $0x2  }
0xb8: {  	s31 =	sshll.u32 s1, $0xD;
	s1 =	sshrl.u32 s1, $0x2  }
0xb9: {  	s3 =	sand.u32 $0x4000, s31;
	s1 =	sadd.s32 s1, s30  }
0xba: {  	s0 =	sor.u32 s3, s0;
	s1 =	sshll.u32 s1, $0x11  }
0xbb: {  	s0 =	sor.u32 s1, s0  }
0xbc: {  	s0 =	sadd.s32 $0x8F2B, s0  }
0xbd: {  	[sflag:s0] =	ssyncadd.remote.s32 $0x1  }
0xbe: {  	_ =	sfence.sel $0xFFFF  }
0xbf: {  	[dreg:$0x0] =	wrdreg $0xFFFFFFFF;
	(pc) =	sbr.abs _section_cstart, $3  }
0xc0: {  	[dreg:$0x1] =	wrdreg $0xFFFFFFFF  }
0xc1: {  	_ =	task.clear_ibuf [dreg:s7], $0x2FFFF;
	_ =	strace $0x9FFFFFFF  }
0xc2: {  	(tm) =	ssettm $0x7FFFFFFF  }
0xc3: {  	_ =	shalt  }
tec
execute0_lowered:
.L_overlay_start_1:
0x0: {  	(tag) =	ssettag $0x1  }
0x1: {  	s1 =	srdreg.scid;
	s0 =	stileid.u32  }
0x2: {  	s2 =	rddreg [dreg:$0x0];
	s6 =	sand.u32 $0x1, s1;
	s30 =	sshll.u32 s0, $0x1  }
0x3: {  	s9 =	rddreg [dreg:$0x1];
	s7 =	sor.u32 s6, s30  }
0x4: {  	s3 =	simm.s32 $0x0;
	s1 =	rddreg [dreg:$0x2];
	s4 =	smul.u32 $0x62, s7  }
0x5: {  	s8 =	simm.s32 $0x1;
	[smem:$0x7FF] =	sst s3  }
0x6: {  	_ =	strace $0x80000047;
	s11 =	ssub.s32 $0x2, s6;
	s4 =	sadd.s32 s4, s9  }
0x7: {  	s6 =	simm.s32 $0x310;
	s5 =	sadd.s32 $0x64C00, s4;
	s4 =	simm.s32 $0x2  }
0x8: {  	[tilespmem:s3], [sflag:$0x2] =	stream.linear.gather [hbm4b:s5+s3], $0x310, $0x38;
	[tilespmem:$0x18B80] =	vst v63  }
0x9: {  	s10 =	smul.u32 $0x3100, s7;
	s12 =	sshrl.u32 s11, $0x1;
	_ =	swait.ge [sflag:s4], $0x310  }
0xa: {  	s7 =	simm.s32 $0x380;
	s31 =	ssub.s32 s11, s12;
	[sflag:s4] =	ssyncset.done $0x0  }
0xb: {  	s9 =	sadd.s32 s10, s9;
	s10 =	smax.u32 s31, $0x1;
	[sflag:s4] =	ssyncadd.s32 $0xFFFFFCF0  }
0xc: {  	[tilespmem:s7], [sflag:$0x1] =	stream.indirect.gather [hbm4b:s2+s6], $0x80, s3, s6, $0xb8;
	[tilespmem:$0x18B80] =	vst v63  }
0xd: {  	p0 =	sne.s32 s10, $0x1;
	_ =	swait.ge [sflag:s8], $0x18800  }
.Ltmp0:
0xe: {  	[sflag:s8] =	ssyncset.done $0x0;
	(pc) =	sbr.rel @!p0 .LBB2_2-.Ltmp0, $4  }
0xf: {  	s9 =	sadd.s32 $0x65A00, s9;
	[sflag:s8] =	ssyncadd.s32 $0xFFFE7800  }
0x10: {  	[hbm4b:s9+s3] =	stream.linear.scatter [tilespmem:s7], [sflag:$0x2], $0x18800, $0x38;
	[tilespmem:$0x18B80] =	vst v63  }
0x11: {  	_ =	swait.ge [sflag:s4], $0x18800  }
0x12: {  	s10 =	sadd.s32 $0xFFFFFFFF, s10;
	[sflag:s4] =	ssyncset.done $0x0  }
.LBB2_1:
0x13: {  	p0 =	sne.s32 s10, $0x1;
	s10 =	sadd.s32 $0xFFFFFFFF, s10;
	[sflag:s4] =	ssyncadd.s32 $0xFFFE7800  }
0x14: {  	[tilespmem:s3], [sflag:$0x2] =	stream.linear.gather [hbm4b:s5+s3], $0x310, $0x38;
	[tilespmem:$0x18B80] =	vst v63  }
0x15: {  	_ =	swait.ge [sflag:s4], $0x310  }
0x16: {  	[sflag:s4] =	ssyncset.done $0x0  }
0x17: {  	[sflag:s4] =	ssyncadd.s32 $0xFFFFFCF0  }
0x18: {  	[tilespmem:s7], [sflag:$0x1] =	stream.indirect.gather [hbm4b:s2+s6], $0x80, s3, s6, $0xb8;
	[tilespmem:$0x18B80] =	vst v63  }
0x19: {  	_ =	swait.ge [sflag:s8], $0x18800  }
.Ltmp1:
0x1a: {  	[sflag:s8] =	ssyncset.done $0x0;
	(pc) =	sbr.rel @p0 .LBB2_1-.Ltmp1, $4  }
0x1b: {  	[sflag:s8] =	ssyncadd.s32 $0xFFFE7800  }
0x1c: {  	[hbm4b:s9+s3] =	stream.linear.scatter [tilespmem:s7], [sflag:$0x2], $0x18800, $0x38;
	[tilespmem:$0x18B80] =	vst v63  }
0x1d: {  	_ =	swait.ge [sflag:s4], $0x18800  }
0x1e: {  	[sflag:s4] =	ssyncset.done $0x0  }
.LBB2_2:
0x1f: {  	[sflag:s4] =	ssyncadd.s32 $0xFFFE7800  }
0x20: {  	_ =	sfence.sel $0x180000  }
0x21: {  	[bflag:$0x0] =	sbarrier.arrive $0xFFFF  }
0x22: {  	p0 =	sne.s32 s0, $0x0;
	_ =	strace $0x90000047  }
0x23: {  	s0 =	sadd.s32 @!p0 $0x100000, s1;
	[bflag:$0x2] =	sbarrier.arrive $0xFFFF  }
0x24: {  	[sflag:s0] =	ssyncadd.tile.s32 @!p0 $0x1;
	_ =	shalt  }
.Lfunc_end2:
_tile_overlayer_lowered:
.L_overlay_start_2:
0x25: {  	(tag) =	ssettag $0x2  }
0x26: {  	s0 =	rddreg [dreg:$0x0];
	s2 =	stileid.u32  }
0x27: {  	s1 =	rddreg [dreg:$0x1];
	p0 =	sne.s32 s2, $0x0  }
0x28: {  	s3 =	rddreg [dreg:$0x2];
	[bflag:$0x3] =	sbarrier.arrive $0xFFFF;
	s2 =	simm.s32 @!p0 $0x1C02  }
0x29: {  	[timem:s3], [sflag:s2] =	dma.local @!p0 [hbm:s0], s1  }
0x2a: {  	s0 =	simm.s32 @!p0 $0x2  }
0x2b: {  	_ =	swait.ge @!p0 [sflag:s0], s1  }
0x2c: {  	s1 =	ssub.s32 @!p0 $0x0, s1;
	[sflag:s0] =	ssyncset.done @!p0 $0x0  }
0x2d: {  	[sflag:s0] =	ssyncadd.s32 @!p0 s1  }
0x2e: {  	[bflag:$0x3] =	sbarrier.arrive $0xFFFF  }
0x2f: {  	_ =	shalt  }

// kernel: kernel.9.cloned.1.call-start
scs
__scs_entry_jumppad:
0x0: {  	(pc) =	sbr.rel $0x88, $3  }
0x1: {  	(tag) =	ssettag $0x0;
	lr =	simm.s32 $0x1  }
0x2: {  	[smem:$0x3F93] =	sst lr;
	_ =	strace $0xD0000000  }
0x3: {  	_ = 	snop  }
0x4: {  	_ = 	snop  }
0x5: {  	_ = 	snop  }
0x6: {  	_ = 	snop  }
0x7: {  	_ = 	snop  }
__scs_overlays_trampoline_lowered:
0x8: {  	[smem:$0x3FA2] =	sst s0  }
0x9: {  	[smem:$0x3FA3] =	sst s1  }
0xa: {  	[smem:$0x3FA4] =	sst s2  }
0xb: {  	[smem:$0x3FA5] =	sst s3  }
0xc: {  	[smem:$0x3FA6] =	sst s4  }
0xd: {  	[smem:$0x3FA7] =	sst s5  }
0xe: {  	[smem:$0x3FA8] =	sst s6  }
0xf: {  	[smem:$0x3FA9] =	sst s7  }
0x10: {  	[smem:$0x3FAA] =	sst s8  }
0x11: {  	[smem:$0x3FAB] =	sst s9;
	s0 =	simm.s32 @!p0 $0x0  }
0x12: {  	s1 =	sld [smem:$0x3F91];
	s0 =	simm.s32 @p0 $0x1  }
0x13: {  	[smem:$0x3FAC] =	sst s0;
	s0 =	simm.s32 @!p1 $0x0  }
0x14: {  	s2 =	sld [smem:$0x3F90];
	s0 =	simm.s32 @p1 $0x1  }
0x15: {  	[smem:$0x3FAD] =	sst s0;
	s0 =	simm.s32 @!p2 $0x0  }
0x16: {  	s3 =	sld [smem:$0x3FDB];
	s0 =	simm.s32 @p2 $0x1  }
0x17: {  	s4 =	simm.s32 $0x1BF5;
	[smem:$0x3FAF] =	sst s0  }
0x18: {  	s0 =	sld [smem:$0x3F92];
	_ =	swait.ge [sflag:s4], $0x0  }
0x19: {  	s7 =	sld [smem:$0x3F93]  }
0x1a: {  	s8 =	sadd.s32 $0xFFFFE003, lr  }
0x1b: {  	s9 =	sadd.s32 $0xFFFFFEF7, lr;
	s5 =	simm.s32 $0xFFFFFFFF;
	p2 =	slt.u32 s8, $0xFFFFF086  }
0x1c: {  	p1 =	slt.u32 s9, $0xF7A;
	s5 =	simm.s32 @!p2 $0x0  }
0x1d: {  	s5 =	simm.s32 @p1 $0x1;
	p0 =	seq.s32 s7, s2  }
0x1e: {  	s7 =	smul.u32 @!p0 $0xF7A, s2;
	p2 =	seq.s32 @!p0 s5, $0x0  }
0x1f: {  	s9 =	smul.u32 $0xF7A, s1;
	s8 =	simm.s32 @!p0 $0x1BF5;
	p2 =	por !p2, p0  }
0x20: {  	[sflag:s8] =	ssyncset.s32 @!p0 $0xFFFFF086;
	s6 =	sadd.s32 @!p0 s3, s7;
	s7 =	simm.s32 @!p0 $0x108  }
0x21: {  	s3 =	sadd.s32 s3, s9;
	s6 =	sadd.s32 @!p0 $0x88, s6;
	s7 =	simm.s32 @p2 $0x1082  }
0x22: {  	[simem:s7], [sflag:s8] =	dma.local @!p0 [hbm:s6], $0xF7A  }
0x23: {  	s9 =	sor.u32 $0xD0000000, s2;
	s6 =	simm.s32 $0x108;
	_ =	swait.ge @!p0 [sflag:s8], $0x0  }
0x24: {  	s3 =	sadd.s32 $0x88, s3;
	s6 =	simm.s32 @!p1 $0x1082;
	[sflag:s4] =	ssyncset.s32 $0xFFFFF086  }
0x25: {  	[simem:s6], [sflag:s4] =	dma.local [hbm:s3], $0xF7A  }
0x26: {  	[smem:$0x3F93] =	sst s1;
	(tag) =	ssettag s2;
	_ =	strace s9  }
0x27: {  	s1 =	sld [smem:$0x3FA3]  }
0x28: {  	s2 =	sld [smem:$0x3FA4]  }
0x29: {  	s4 =	sld [smem:$0x3FA6]  }
0x2a: {  	p0 =	seq.s32 s5, $0x0;
	s5 =	sld [smem:$0x3FA7]  }
0x2b: {  	s6 =	sld [smem:$0x3FA8]  }
0x2c: {  	s7 =	sld [smem:$0x3FA9]  }
0x2d: {  	s3 =	simm.s32 $0x108;
	s8 =	sld [smem:$0x3FAA]  }
0x2e: {  	s3 =	simm.s32 @!p0 $0x1082;
	s9 =	sld [smem:$0x3FAB]  }
0x2f: {  	lr =	sadd.s32 s0, s3;
	s0 =	sld [smem:$0x3FA2]  }
0x30: {  	s3 =	sld [smem:$0x3FA5]  }
0x31: {  	[smem:$0x3FAE] =	sst s10  }
0x32: {  	s10 =	sld [smem:$0x3FAC];
	_ =	sdelay $0x3  }
0x33: {  	p0 =	seq.s32 s10, $0x1;
	s10 =	sld [smem:$0x3FAE];
	_ =	sdelay $0x3  }
0x34: {  	[smem:$0x3FAE] =	sst s10  }
0x35: {  	s10 =	sld [smem:$0x3FAD];
	_ =	sdelay $0x3  }
0x36: {  	p1 =	seq.s32 s10, $0x1;
	s10 =	sld [smem:$0x3FAE];
	_ =	sdelay $0x3  }
0x37: {  	[smem:$0x3FAE] =	sst s10  }
0x38: {  	s10 =	sld [smem:$0x3FAF]  }
0x39: {  	_ = 	snop;
	(pc) =	sbr.ind lr, $3  }
0x3a: {  	_ = 	snop  }
0x3b: {  	_ = 	snop  }
0x3c: {  	p2 =	seq.s32 s10, $0x1;
	s10 =	sld [smem:$0x3FAE]  }
0x3d: {  	_ =	shalt  }
0x3e: {  	_ =	shalt  }
0x3f: {  	_ =	shalt  }
0x40: {  	_ =	shalt  }
0x41: {  	_ =	shalt  }
0x42: {  	_ =	shalt  }
0x43: {  	_ =	shalt  }
0x44: {  	_ =	shalt  }
0x45: {  	_ =	shalt  }
0x46: {  	_ =	shalt  }
0x47: {  	_ =	shalt  }
0x48: {  	_ =	shalt  }
0x49: {  	_ =	shalt  }
0x4a: {  	_ =	shalt  }
0x4b: {  	_ =	shalt  }
0x4c: {  	_ =	shalt  }
0x4d: {  	_ =	shalt  }
0x4e: {  	_ =	shalt  }
0x4f: {  	_ =	shalt  }
0x50: {  	_ =	shalt  }
0x51: {  	_ =	shalt  }
0x52: {  	_ =	shalt  }
0x53: {  	_ =	shalt  }
0x54: {  	_ =	shalt  }
0x55: {  	_ =	shalt  }
0x56: {  	_ =	shalt  }
0x57: {  	_ =	shalt  }
0x58: {  	_ =	shalt  }
0x59: {  	_ =	shalt  }
0x5a: {  	_ =	shalt  }
0x5b: {  	_ =	shalt  }
0x5c: {  	_ =	shalt  }
0x5d: {  	_ =	shalt  }
0x5e: {  	_ =	shalt  }
0x5f: {  	_ =	shalt  }
0x60: {  	_ =	shalt  }
0x61: {  	_ =	shalt  }
0x62: {  	_ =	shalt  }
0x63: {  	_ =	shalt  }
0x64: {  	_ =	shalt  }
0x65: {  	_ =	shalt  }
0x66: {  	_ =	shalt  }
0x67: {  	_ =	shalt  }
0x68: {  	_ =	shalt  }
0x69: {  	_ =	shalt  }
0x6a: {  	_ =	shalt  }
0x6b: {  	_ =	shalt  }
0x6c: {  	_ =	shalt  }
0x6d: {  	_ =	shalt  }
0x6e: {  	_ =	shalt  }
0x6f: {  	_ =	shalt  }
0x70: {  	_ =	shalt  }
0x71: {  	_ =	shalt  }
0x72: {  	_ =	shalt  }
0x73: {  	_ =	shalt  }
0x74: {  	_ =	shalt  }
0x75: {  	_ =	shalt  }
0x76: {  	_ =	shalt  }
0x77: {  	_ =	shalt  }
0x78: {  	_ =	shalt  }
0x79: {  	_ =	shalt  }
0x7a: {  	_ =	shalt  }
0x7b: {  	_ =	shalt  }
0x7c: {  	_ =	shalt  }
0x7d: {  	_ =	shalt  }
0x7e: {  	_ =	shalt  }
0x7f: {  	_ =	shalt  }
0x80: {  	_ =	shalt  }
0x81: {  	_ =	shalt  }
0x82: {  	_ =	shalt  }
0x83: {  	_ =	shalt  }
0x84: {  	_ =	shalt  }
0x85: {  	_ =	shalt  }
0x86: {  	_ =	shalt  }
0x87: {  	_ =	shalt  }
.Lfunc_end0:
.L_simem_size_0:
called_computation.1_lowered:
.L_overlay_start_0:
0x88: {  	s2 =	sld [smem:$0x3FD9]  }
0x89: {  	s3 =	sld [smem:$0x3FFE];
	_ =	sdelay $0x1  }
0x8a: {  	s1 =	srdreg.scid  }
0x8b: {  	s0 =	sand.u32 $0x1, s1  }
0x8c: {  	s17 =	sshll.u32 s0, $0xA;
	s2 =	sadd.s32 s3, s2  }
0x8d: {  	s2 =	sadd.s32 s2, s17  }
0x8e: {  	[smem:$0x3FBA] =	sst s2  }
0x8f: {  	_ = 	snop  }
0x90: {  	s18 =	sld [smem:$0x3FC3];
	(tm) =	ssettm $0x1  }
0x91: {  	s19 =	sld [smem:$0x3FFB];
	_ =	sdelay $0x3  }
0x92: {  	_ =	strace s19  }
0x93: {  	s2 =	sld [smem:$0x3FFC];
	_ =	sdelay $0x3  }
0x94: {  	_ =	strace s2  }
0x95: {  	s2 =	sld [smem:$0x3FFD];
	_ =	sdelay $0x3  }
0x96: {  	_ =	strace s2  }
0x97: {  	_ =	strace $0x8FFFFFFF  }
0x98: {  	s20 =	sld [smem:$0x3FDB];
	_ =	sdelay $0x1  }
0x99: {  	s4 =	simm.s32 $_scs_section_size  }
0x9a: {  	s5 =	simm.s32 $_size__tile_overlayer_lowered;
	s6 =	simm.s32 $_tile_overlayer_lowered  }
0x9b: {  	s7 =	simm.s32 $0x1BFF;
	s21 =	sshll.u32 s6, $0x1;
	s4 =	sadd.s32 s4, s20  }
0x9c: {  	s22 =	simm.s32 $0x0;
	s5 =	sshll.u32 s5, $0x1;
	s6 =	sadd.s32 s21, s4  }
0x9d: {  	[timem:s22], [sflag:s7] =	dma.local [hbm:s6], s5  }
0x9e: {  	_ =	swait.ge [sflag:s7], s5  }
0x9f: {  	s5 =	ssub.s32 $0x0, s5;
	[sflag:s7] =	ssyncset.done $0x0  }
0xa0: {  	[sflag:s7] =	ssyncadd.s32 s5;
	_ =	sdelay $0x1  }
0xa1: {  	s23 =	simm.s32 $0x1B8B  }
0xa2: {  	_ =	swait.ge [sflag:s23], $0x1  }
0xa3: {  	[sflag:s23] =	ssyncset.done $0x0  }
0xa4: {  	[sflag:s23] =	ssyncadd.s32 $0xFFFFFFFF  }
0xa5: {  	s5 =	sld [smem:$0x0]  }
0xa6: {  	s6 =	sand.u32 $0xFFFFFFFE, s1  }
0xa7: {  	p0 =	sne.s32 s1, s6  }
0xa8: {  	s6 =	sshll.u32 @p0 s6, $0xE  }
0xa9: {  	s6 =	sadd.s32 @p0 $0x11B8D, s6;
	s7 =	sshll.u32 @p0 s5, $0x11  }
0xaa: {  	s6 =	sor.u32 @p0 s7, s6  }
0xab: {  	[sflag:s6] =	ssyncadd.remote.s32 @p0 $0x1;
	_ =	sdelay $0x1  }
0xac: {  	s6 =	simm.s32 @p0 $0x1B8D  }
0xad: {  	_ =	swait.eq @p0 [sflag:s6], $0x1  }
0xae: {  	[sflag:s6] =	ssyncadd.s32 @p0 $0xFFFFFFFF  }
0xaf: {  	s7 =	sshll.u32 @!p0 s1, $0xE  }
0xb0: {  	s7 =	sor.u32 @!p0 $0x4000, s7;
	s6 =	simm.s32 @!p0 $0x1B8D  }
0xb1: {  	s5 =	sshll.u32 @!p0 s5, $0x11;
	s7 =	sadd.s32 @!p0 $0x11B8D, s7;
	_ =	swait.eq @!p0 [sflag:s6], $0x1  }
0xb2: {  	s5 =	sor.u32 @!p0 s5, s7;
	[sflag:s6] =	ssyncadd.s32 @!p0 $0xFFFFFFFF  }
0xb3: {  	s25 =	simm.s32 $0x1B8E;
	s24 =	sld [smem:$0x3FFE];
	[sflag:s5] =	ssyncadd.remote.s32 @!p0 $0x1  }
0xb4: {  	s26 =	simm.s32 $execute0_lowered;
	[smem:$0x3FD2] =	sst s25  }
0xb5: {  	s6 =	sshll.u32 s26, $0x1;
	_ =	strace $0x80000049;
	[dreg:$0x1] =	wrdreg $0xFFFFFFFF  }
0xb6: {  	s28 =	simm.s32 $_size_execute0_lowered;
	s4 =	sadd.s32 s4, s6;
	[dreg:$0x0] =	wrdreg $0x0  }
0xb7: {  	s6 =	sshll.u32 s28, $0x1;
	[dreg:$0x2] =	wrdreg s4  }
0xb8: {  	[dreg:$0x3] =	wrdreg s6  }
0xb9: {  	[dreg:$0x4] =	wrdreg $0xC0  }
0xba: {  	_ =	task [dreg:s22], $0x5FFFF  }
0xbb: {  	[dreg:$0x1] =	wrdreg $0xFFFFFFFF  }
0xbc: {  	[dreg:$0x0] =	wrdreg $0x60  }
0xbd: {  	[dreg:$0x2] =	wrdreg s18  }
0xbe: {  	[dreg:$0x3] =	wrdreg s24  }
0xbf: {  	[dreg:$0x4] =	wrdreg $0xA  }
0xc0: {  	_ =	task.clear_ibuf [dreg:s22], $0x5FFFF;
	_ =	strace $0x90000049  }
0xc1: {  	s29 =	simm.s32 $0xA;
	_ =	strace $0x8000004B  }
0xc2: {  	_ =	swait.ge [sflag:s29], $0x1  }
0xc3: {  	[sflag:s29] =	ssyncadd.s32 $0xFFFFFFFF  }
0xc4: {  	_ =	strace $0x9000004B  }
0xc5: {  	_ =	sfence  }
0xc6: {  	s30 =	sld [smem:$0x0];
	_ =	sdelay $0x2  }
0xc7: {  	s31 =	sshll.u32 s1, $0xD;
	s1 =	sshrl.u32 s1, $0x2  }
0xc8: {  	s4 =	sand.u32 $0x4000, s31;
	s1 =	sadd.s32 s1, s30  }
0xc9: {  	s0 =	sor.u32 s4, s0;
	s1 =	sshll.u32 s1, $0x11  }
0xca: {  	s0 =	sor.u32 s1, s0  }
0xcb: {  	s0 =	sadd.s32 $0x8F2B, s0  }
0xcc: {  	[sflag:s0] =	ssyncadd.remote.s32 $0x1  }
0xcd: {  	_ =	sfence.sel $0xFFFF  }
0xce: {  	[dreg:$0x0] =	wrdreg $0xFFFFFFFF;
	(pc) =	sbr.abs _section_cstart, $3  }
0xcf: {  	[dreg:$0x1] =	wrdreg $0xFFFFFFFF  }
0xd0: {  	_ =	task.clear_ibuf [dreg:s22], $0x2FFFF;
	_ =	strace $0x9FFFFFFF  }
0xd1: {  	(tm) =	ssettm $0x7FFFFFFF  }
tec
execute0_lowered:
.L_overlay_start_1:
0x0: {  	(tag) =	ssettag $0x1  }
0x1: {  	s1 =	srdreg.scid;
	s0 =	stileid.u32  }
0x2: {  	s2 =	rddreg [dreg:$0x0];
	s6 =	sand.u32 $0x1, s1;
	s30 =	sshll.u32 s0, $0x1  }
0x3: {  	s9 =	rddreg [dreg:$0x1];
	s7 =	sor.u32 s6, s30  }
0x4: {  	s3 =	simm.s32 $0x0;
	s1 =	rddreg [dreg:$0x2];
	s4 =	smul.u32 $0x19, s7  }
0x5: {  	s8 =	simm.s32 $0x1;
	[smem:$0x7FF] =	sst s3  }
0x6: {  	_ =	strace $0x8000004A;
	s11 =	ssub.s32 $0x2, s6;
	s4 =	sadd.s32 s4, s9  }
0x7: {  	s6 =	simm.s32 $0xC8;
	s5 =	sadd.s32 $0xC7A00, s4;
	s4 =	simm.s32 $0x2  }
0x8: {  	[tilespmem:s3], [sflag:$0x2] =	stream.linear.gather [hbm4b:s5+s3], $0xC8, $0x38;
	[tilespmem:$0x6500] =	vst v63  }
0x9: {  	s10 =	smul.u32 $0xC80, s7;
	s12 =	sshrl.u32 s11, $0x1;
	_ =	swait.ge [sflag:s4], $0xC8  }
0xa: {  	s7 =	simm.s32 $0x100;
	s31 =	ssub.s32 s11, s12;
	[sflag:s4] =	ssyncset.done $0x0  }
0xb: {  	s9 =	sadd.s32 s10, s9;
	s10 =	smax.u32 s31, $0x1;
	[sflag:s4] =	ssyncadd.s32 $0xFFFFFF38  }
0xc: {  	[tilespmem:s7], [sflag:$0x1] =	stream.indirect.gather [hbm4b:s2+s6], $0x80, s3, s6, $0xb8;
	[tilespmem:$0x6500] =	vst v63  }
0xd: {  	p0 =	sne.s32 s10, $0x1;
	_ =	swait.ge [sflag:s8], $0x6400  }
.Ltmp0:
0xe: {  	[sflag:s8] =	ssyncset.done $0x0;
	(pc) =	sbr.rel @!p0 .LBB2_2-.Ltmp0, $4  }
0xf: {  	s9 =	sadd.s32 $0xC7E00, s9;
	[sflag:s8] =	ssyncadd.s32 $0xFFFF9C00  }
0x10: {  	[hbm4b:s9+s3] =	stream.linear.scatter [tilespmem:s7], [sflag:$0x2], $0x6400, $0x38;
	[tilespmem:$0x6500] =	vst v63  }
0x11: {  	_ =	swait.ge [sflag:s4], $0x6400  }
0x12: {  	s10 =	sadd.s32 $0xFFFFFFFF, s10;
	[sflag:s4] =	ssyncset.done $0x0  }
.LBB2_1:
0x13: {  	p0 =	sne.s32 s10, $0x1;
	s10 =	sadd.s32 $0xFFFFFFFF, s10;
	[sflag:s4] =	ssyncadd.s32 $0xFFFF9C00  }
0x14: {  	[tilespmem:s3], [sflag:$0x2] =	stream.linear.gather [hbm4b:s5+s3], $0xC8, $0x38;
	[tilespmem:$0x6500] =	vst v63  }
0x15: {  	_ =	swait.ge [sflag:s4], $0xC8  }
0x16: {  	[sflag:s4] =	ssyncset.done $0x0  }
0x17: {  	[sflag:s4] =	ssyncadd.s32 $0xFFFFFF38  }
0x18: {  	[tilespmem:s7], [sflag:$0x1] =	stream.indirect.gather [hbm4b:s2+s6], $0x80, s3, s6, $0xb8;
	[tilespmem:$0x6500] =	vst v63  }
0x19: {  	_ =	swait.ge [sflag:s8], $0x6400  }
.Ltmp1:
0x1a: {  	[sflag:s8] =	ssyncset.done $0x0;
	(pc) =	sbr.rel @p0 .LBB2_1-.Ltmp1, $4  }
0x1b: {  	[sflag:s8] =	ssyncadd.s32 $0xFFFF9C00  }
0x1c: {  	[hbm4b:s9+s3] =	stream.linear.scatter [tilespmem:s7], [sflag:$0x2], $0x6400, $0x38;
	[tilespmem:$0x6500] =	vst v63  }
0x1d: {  	_ =	swait.ge [sflag:s4], $0x6400  }
0x1e: {  	[sflag:s4] =	ssyncset.done $0x0  }
.LBB2_2:
0x1f: {  	[sflag:s4] =	ssyncadd.s32 $0xFFFF9C00  }
0x20: {  	_ =	sfence.sel $0x180000  }
0x21: {  	[bflag:$0x0] =	sbarrier.arrive $0xFFFF  }
0x22: {  	p0 =	sne.s32 s0, $0x0;
	_ =	strace $0x9000004A  }
0x23: {  	s0 =	sadd.s32 @!p0 $0x100000, s1;
	[bflag:$0x2] =	sbarrier.arrive $0xFFFF  }
0x24: {  	[sflag:s0] =	ssyncadd.tile.s32 @!p0 $0x1;
	_ =	shalt  }
.Lfunc_end2:
_tile_overlayer_lowered:
.L_overlay_start_2:
0x25: {  	(tag) =	ssettag $0x2  }
0x26: {  	s0 =	rddreg [dreg:$0x0];
	s2 =	stileid.u32  }
0x27: {  	s1 =	rddreg [dreg:$0x1];
	p0 =	sne.s32 s2, $0x0  }
0x28: {  	s3 =	rddreg [dreg:$0x2];
	[bflag:$0x3] =	sbarrier.arrive $0xFFFF;
	s2 =	simm.s32 @!p0 $0x1C02  }
0x29: {  	[timem:s3], [sflag:s2] =	dma.local @!p0 [hbm:s0], s1  }
0x2a: {  	s0 =	simm.s32 @!p0 $0x2  }
0x2b: {  	_ =	swait.ge @!p0 [sflag:s0], s1  }
0x2c: {  	s1 =	ssub.s32 @!p0 $0x0, s1;
	[sflag:s0] =	ssyncset.done @!p0 $0x0  }
0x2d: {  	[sflag:s0] =	ssyncadd.s32 @!p0 s1  }
0x2e: {  	[bflag:$0x3] =	sbarrier.arrive $0xFFFF  }
0x2f: {  	_ =	shalt  }

</sc_bundles>
